<compile_context>
chip_gen: v7x
topology: tpu7x:2x2x1
jax: 0.10.2.dev20260603
libtpu: 0.0.44.dev20260713+nightly
codegen_flags: <defaults>
</compile_context>

<pallas_src>
import functools

import jax
import jax.numpy as jnp
from jax import lax
from jax.experimental import pallas as pl
from jax.experimental.pallas import tpu as pltpu
from jax.experimental.pallas import tpu_sc as plsc

_NC, _NS, _L = 2, 16, 16
_NW = _NC * _NS


@functools.partial(jax.jit, static_argnums=(4, 5, 6, 7))
def _embed_add(ids, pids, wtab, ptab, N, V, P, H):
    rpw = N // _NW
    C = 16
    n_chunks = rpw // C
    mesh = plsc.VectorSubcoreMesh(
        core_axis_name="c", subcore_axis_name="s",
        num_cores=_NC, num_subcores=_NS)

    @functools.partial(
        pl.kernel,
        out_type=jax.ShapeDtypeStruct((N, H), jnp.float32),
        mesh=mesh,
        scratch_types=[
            pltpu.VMEM((rpw,), jnp.int32),
            pltpu.VMEM((rpw,), jnp.int32),
            [pltpu.VMEM((C, H), jnp.float32)] * 2,
            [pltpu.VMEM((C, H), jnp.float32)] * 2,
            [pltpu.VMEM((C, H), jnp.float32)] * 2,
            [pltpu.SemaphoreType.DMA] * 2,
            [pltpu.SemaphoreType.DMA] * 2,
        ],
    )
    def k(ids_hbm, pids_hbm, wtab_hbm, ptab_hbm, out_hbm,
          idx_v, pidx_v, bw, bp, bo, gsem, wsem):
        wid = lax.axis_index("s") * _NC + lax.axis_index("c")
        base = wid * rpw

        def issue_gathers(c, b):
            pltpu.async_copy(
                wtab_hbm.at[idx_v.at[pl.ds(c * C, C)]], bw[b], gsem[b])
            pltpu.async_copy(
                ptab_hbm.at[pidx_v.at[pl.ds(c * C, C)]], bp[b], gsem[b])

        def drain_gathers(b):
            pltpu.make_async_copy(wtab_hbm.at[pl.ds(0, C)], bw[b],
                                  gsem[b]).wait()
            pltpu.make_async_copy(ptab_hbm.at[pl.ds(0, C)], bp[b],
                                  gsem[b]).wait()

        pltpu.sync_copy(ids_hbm.at[pl.ds(base, 2 * C)],
                        idx_v.at[pl.ds(0, 2 * C)])
        pltpu.sync_copy(pids_hbm.at[pl.ds(base, 2 * C)],
                        pidx_v.at[pl.ds(0, 2 * C)])
        issue_gathers(0, 0)
        issue_gathers(1, 1)
        pltpu.sync_copy(ids_hbm.at[pl.ds(base + 2 * C, rpw - 2 * C)],
                        idx_v.at[pl.ds(2 * C, rpw - 2 * C)])
        pltpu.sync_copy(pids_hbm.at[pl.ds(base + 2 * C, rpw - 2 * C)],
                        pidx_v.at[pl.ds(2 * C, rpw - 2 * C)])

        @pl.loop(0, n_chunks, step=2)
        def _(c0):
            for b in range(2):
                c = c0 + b
                drain_gathers(b)

                @pl.when(c >= 2)
                def _():
                    pltpu.make_async_copy(
                        bo[b], out_hbm.at[pl.ds(0, C)], wsem[b]).wait()

                @plsc.parallel_loop(0, C * H // (8 * _L))
                def _(i):
                    r = i >> 3
                    g0 = (i & 7) * 8 * _L
                    for u in range(8):
                        sl = pl.ds(g0 + u * _L, _L)
                        bo[b][r, sl] = bw[b][r, sl] + bp[b][r, sl]

                @pl.when(c + 2 < n_chunks)
                def _():
                    issue_gathers(c + 2, b)

                pltpu.async_copy(
                    bo[b], out_hbm.at[pl.ds(base + c * C, C)], wsem[b])

        for b in range(2):
            pltpu.make_async_copy(bo[b], out_hbm.at[pl.ds(0, C)],
                                  wsem[b]).wait()

    return k(ids, pids, wtab, ptab)


def kernel(input_ids, position_ids, word_embeddings, position_embeddings):
    B, S = input_ids.shape
    V, H = word_embeddings.shape
    P = position_embeddings.shape[0]
    N = B * S
    ids = input_ids.reshape(N).astype(jnp.int32)
    pids = position_ids.reshape(N).astype(jnp.int32)
    out = _embed_add(ids, pids, word_embeddings, position_embeddings,
                     N, V, P, H)
    return out.reshape(B, S, H)

# --- scband reference (transcript-rebuilt; emitter-appended) ---
"""Pipeline reference for scband-vocab-parallel-embedding-89163521065508 (READ-ONLY COPY).

The authoritative reference and input builder live on the scoring server;
editing this copy changes nothing except your own understanding.
"""

import jax, jax.numpy as jnp
import numpy as np

VOCAB = 100000
MAX_SEQ = 2048
HIDDEN = 1024
B, S = 4, 2048

def setup_inputs(seed: int = 0) -> dict:
    key = jax.random.key(seed)
    k1, k2, k3, k4 = jax.random.split(key, 4)
    input_ids = jax.random.randint(k1, (B, S), 0, VOCAB, dtype=jnp.int64 if jax.config.jax_enable_x64 else jnp.int32)
    position_ids = jax.random.randint(k2, (B, S), 0, MAX_SEQ, dtype=jnp.int64 if jax.config.jax_enable_x64 else jnp.int32)
    word_embeddings = jax.random.normal(k3, (VOCAB, HIDDEN), dtype=jnp.float32) * 0.02
    position_embeddings = jax.random.normal(k4, (MAX_SEQ, HIDDEN), dtype=jnp.float32) * 0.02
    return {
        "input_ids": input_ids,
        "position_ids": position_ids,
        "word_embeddings": word_embeddings,
        "position_embeddings": position_embeddings,
    }

def reference(input_ids, position_ids, word_embeddings, position_embeddings):
    # input_ids.view(-1, input_shape[-1]) is a no-op for 2D input
    input_ids_2d = input_ids.reshape(-1, input_ids.shape[-1])
    position_ids_2d = position_ids.reshape(-1, input_ids.shape[-1])
    words_embeddings = jnp.take(word_embeddings, input_ids_2d, axis=0)
    pos_embeddings = jnp.take(position_embeddings, position_ids_2d, axis=0)
    embeddings = words_embeddings + pos_embeddings
    # embedding_dropout_prob = 0.0 -> dropout is identity
    return embeddings

if __name__ == "__main__":
    import jax
    _d = setup_inputs()
    print(jax.jit(kernel)(*tuple(_d.values())))

</pallas_src>

<mosaic_0001>
#map = affine_map<(d0, d1) -> (0)>
#map1 = affine_map<(d0, d1) -> (0, 0)>
module attributes {stable_mosaic.version = 14 : i64} {
  func.func @k(%arg0: i32, %arg1: i32, %arg2: memref<8192xi32, #tpu.memory_space<hbm>>, %arg3: memref<8192xi32, #tpu.memory_space<hbm>>, %arg4: memref<100000x1024xf32, #tpu.memory_space<hbm>>, %arg5: memref<2048x1024xf32, #tpu.memory_space<hbm>>, %arg6: memref<8192x1024xf32, #tpu.memory_space<hbm>>, %arg7: memref<256xi32, #tpu.memory_space<vmem>>, %arg8: memref<256xi32, #tpu.memory_space<vmem>>, %arg9: memref<16x1024xf32, #tpu.memory_space<vmem>>, %arg10: memref<16x1024xf32, #tpu.memory_space<vmem>>, %arg11: memref<16x1024xf32, #tpu.memory_space<vmem>>, %arg12: memref<16x1024xf32, #tpu.memory_space<vmem>>, %arg13: memref<16x1024xf32, #tpu.memory_space<vmem>>, %arg14: memref<16x1024xf32, #tpu.memory_space<vmem>>, %arg15: memref<!tpu.dma_semaphore, #tpu.memory_space<semaphore_mem>>, %arg16: memref<!tpu.dma_semaphore, #tpu.memory_space<semaphore_mem>>, %arg17: memref<!tpu.dma_semaphore, #tpu.memory_space<semaphore_mem>>, %arg18: memref<!tpu.dma_semaphore, #tpu.memory_space<semaphore_mem>>) attributes {dimension_semantics = [#tpu.dimension_semantics<core_parallel>, #tpu.dimension_semantics<subcore_parallel>], iteration_bounds = array<i64: 2, 16>, scalar_prefetch = 0 : i64, scratch_operands = 12 : i64, tpu.core_type = #tpu.core_type<sc_vector_subcore>, window_params = [{transform_indices = #map}, {transform_indices = #map}, {transform_indices = #map1}, {transform_indices = #map1}, {transform_indices = #map1}]} {
    %mul3A = arith.constant 2 : i32
    %mul3A_0 = arith.muli %arg1, %mul3A : i32
    %add3A = arith.addi %mul3A_0, %arg0 : i32
    %mul3A_1 = arith.constant 256 : i32
    %mul3A_2 = arith.muli %add3A, %mul3A_1 : i32
    "tpu.region"() ({
      %run_scoped3A = tpu.sem_alloc : memref<!tpu.dma_semaphore, #tpu.memory_space<semaphore_mem>>
      %dma_start3A_41 = arith.constant 0 : i32
      %dma_start3A_42 = tpu.memref_slice %arg7[%dma_start3A_41] : memref<256xi32, #tpu.memory_space<vmem>> -> memref<32xi32, #tpu.memory_space<vmem>>
      %dma_start3A_43 = tpu.memref_slice %arg2[%mul3A_2] : memref<8192xi32, #tpu.memory_space<hbm>> -> memref<32xi32, #tpu.memory_space<hbm>>
      %dma_start3A_44 = arith.constant 0 : i32
      %dma_start3A_45 = tpu.memref_slice %arg7[%dma_start3A_44] : memref<256xi32, #tpu.memory_space<vmem>> -> memref<32xi32, #tpu.memory_space<vmem>>
      %dma_start3A_46 = tpu.memref_slice %arg2[%mul3A_2] : memref<8192xi32, #tpu.memory_space<hbm>> -> memref<32xi32, #tpu.memory_space<hbm>>
      tpu.enqueue_dma source(%dma_start3A_46 : memref<32xi32, #tpu.memory_space<hbm>>) target(%dma_start3A_45 : memref<32xi32, #tpu.memory_space<vmem>>) target_semaphore(%run_scoped3A : memref<!tpu.dma_semaphore, #tpu.memory_space<semaphore_mem>>)
      %dma_wait3A_47 = arith.constant 0 : i32
      %dma_wait3A_48 = tpu.memref_slice %arg7[%dma_wait3A_47] : memref<256xi32, #tpu.memory_space<vmem>> -> memref<32xi32, #tpu.memory_space<vmem>>
      %dma_wait3A_49 = tpu.memref_slice %arg2[%mul3A_2] : memref<8192xi32, #tpu.memory_space<hbm>> -> memref<32xi32, #tpu.memory_space<hbm>>
      %dma_wait3A_50 = arith.constant 0 : i32
      %dma_wait3A_51 = tpu.memref_slice %arg7[%dma_wait3A_50] : memref<256xi32, #tpu.memory_space<vmem>> -> memref<32xi32, #tpu.memory_space<vmem>>
      %dma_wait3A_52 = tpu.memref_slice %arg2[%mul3A_2] : memref<8192xi32, #tpu.memory_space<hbm>> -> memref<32xi32, #tpu.memory_space<hbm>>
      tpu.wait_dma2 semaphore(%run_scoped3A : memref<!tpu.dma_semaphore, #tpu.memory_space<semaphore_mem>>) src(%dma_wait3A_52 : memref<32xi32, #tpu.memory_space<hbm>>) dst(%dma_wait3A_51 : memref<32xi32, #tpu.memory_space<vmem>>)
      tpu.yield
    }) : () -> ()
    "tpu.region"() ({
      %run_scoped3A = tpu.sem_alloc : memref<!tpu.dma_semaphore, #tpu.memory_space<semaphore_mem>>
      %dma_start3A_41 = arith.constant 0 : i32
      %dma_start3A_42 = tpu.memref_slice %arg8[%dma_start3A_41] : memref<256xi32, #tpu.memory_space<vmem>> -> memref<32xi32, #tpu.memory_space<vmem>>
      %dma_start3A_43 = tpu.memref_slice %arg3[%mul3A_2] : memref<8192xi32, #tpu.memory_space<hbm>> -> memref<32xi32, #tpu.memory_space<hbm>>
      %dma_start3A_44 = arith.constant 0 : i32
      %dma_start3A_45 = tpu.memref_slice %arg8[%dma_start3A_44] : memref<256xi32, #tpu.memory_space<vmem>> -> memref<32xi32, #tpu.memory_space<vmem>>
      %dma_start3A_46 = tpu.memref_slice %arg3[%mul3A_2] : memref<8192xi32, #tpu.memory_space<hbm>> -> memref<32xi32, #tpu.memory_space<hbm>>
      tpu.enqueue_dma source(%dma_start3A_46 : memref<32xi32, #tpu.memory_space<hbm>>) target(%dma_start3A_45 : memref<32xi32, #tpu.memory_space<vmem>>) target_semaphore(%run_scoped3A : memref<!tpu.dma_semaphore, #tpu.memory_space<semaphore_mem>>)
      %dma_wait3A_47 = arith.constant 0 : i32
      %dma_wait3A_48 = tpu.memref_slice %arg8[%dma_wait3A_47] : memref<256xi32, #tpu.memory_space<vmem>> -> memref<32xi32, #tpu.memory_space<vmem>>
      %dma_wait3A_49 = tpu.memref_slice %arg3[%mul3A_2] : memref<8192xi32, #tpu.memory_space<hbm>> -> memref<32xi32, #tpu.memory_space<hbm>>
      %dma_wait3A_50 = arith.constant 0 : i32
      %dma_wait3A_51 = tpu.memref_slice %arg8[%dma_wait3A_50] : memref<256xi32, #tpu.memory_space<vmem>> -> memref<32xi32, #tpu.memory_space<vmem>>
      %dma_wait3A_52 = tpu.memref_slice %arg3[%mul3A_2] : memref<8192xi32, #tpu.memory_space<hbm>> -> memref<32xi32, #tpu.memory_space<hbm>>
      tpu.wait_dma2 semaphore(%run_scoped3A : memref<!tpu.dma_semaphore, #tpu.memory_space<semaphore_mem>>) src(%dma_wait3A_52 : memref<32xi32, #tpu.memory_space<hbm>>) dst(%dma_wait3A_51 : memref<32xi32, #tpu.memory_space<vmem>>)
      tpu.yield
    }) : () -> ()
    %dma_start3A = arith.constant 0 : i32
    %dma_start3A_3 = tpu.memref_slice %arg7[%dma_start3A] : memref<256xi32, #tpu.memory_space<vmem>> -> memref<16xi32, #tpu.memory_space<vmem>>
    %dma_start3A_4 = arith.constant 0 : i32
    %dma_start3A_5 = arith.constant 0 : i32
    %dma_start3A_6 = tpu.memref_slice %arg4[%dma_start3A_4, %dma_start3A_5] : memref<100000x1024xf32, #tpu.memory_space<hbm>> -> memref<100000x1024xf32, #tpu.memory_space<hbm>>
    tpu.enqueue_indirect_dma source(%dma_start3A_6 : memref<100000x1024xf32, #tpu.memory_space<hbm>>) target(%arg9 : memref<16x1024xf32, #tpu.memory_space<vmem>>) offsets(%dma_start3A_3 : memref<16xi32, #tpu.memory_space<vmem>>) semaphore(%arg15 : memref<!tpu.dma_semaphore, #tpu.memory_space<semaphore_mem>>)
    %dma_start3A_7 = arith.constant 0 : i32
    %dma_start3A_8 = tpu.memref_slice %arg8[%dma_start3A_7] : memref<256xi32, #tpu.memory_space<vmem>> -> memref<16xi32, #tpu.memory_space<vmem>>
    %dma_start3A_9 = arith.constant 0 : i32
    %dma_start3A_10 = arith.constant 0 : i32
    %dma_start3A_11 = tpu.memref_slice %arg5[%dma_start3A_9, %dma_start3A_10] : memref<2048x1024xf32, #tpu.memory_space<hbm>> -> memref<2048x1024xf32, #tpu.memory_space<hbm>>
    tpu.enqueue_indirect_dma source(%dma_start3A_11 : memref<2048x1024xf32, #tpu.memory_space<hbm>>) target(%arg11 : memref<16x1024xf32, #tpu.memory_space<vmem>>) offsets(%dma_start3A_8 : memref<16xi32, #tpu.memory_space<vmem>>) semaphore(%arg15 : memref<!tpu.dma_semaphore, #tpu.memory_space<semaphore_mem>>)
    %dma_start3A_12 = arith.constant 16 : i32
    %dma_start3A_13 = tpu.memref_slice %arg7[%dma_start3A_12] : memref<256xi32, #tpu.memory_space<vmem>> -> memref<16xi32, #tpu.memory_space<vmem>>
    %dma_start3A_14 = arith.constant 0 : i32
    %dma_start3A_15 = arith.constant 0 : i32
    %dma_start3A_16 = tpu.memref_slice %arg4[%dma_start3A_14, %dma_start3A_15] : memref<100000x1024xf32, #tpu.memory_space<hbm>> -> memref<100000x1024xf32, #tpu.memory_space<hbm>>
    tpu.enqueue_indirect_dma source(%dma_start3A_16 : memref<100000x1024xf32, #tpu.memory_space<hbm>>) target(%arg10 : memref<16x1024xf32, #tpu.memory_space<vmem>>) offsets(%dma_start3A_13 : memref<16xi32, #tpu.memory_space<vmem>>) semaphore(%arg16 : memref<!tpu.dma_semaphore, #tpu.memory_space<semaphore_mem>>)
    %dma_start3A_17 = arith.constant 16 : i32
    %dma_start3A_18 = tpu.memref_slice %arg8[%dma_start3A_17] : memref<256xi32, #tpu.memory_space<vmem>> -> memref<16xi32, #tpu.memory_space<vmem>>
    %dma_start3A_19 = arith.constant 0 : i32
    %dma_start3A_20 = arith.constant 0 : i32
    %dma_start3A_21 = tpu.memref_slice %arg5[%dma_start3A_19, %dma_start3A_20] : memref<2048x1024xf32, #tpu.memory_space<hbm>> -> memref<2048x1024xf32, #tpu.memory_space<hbm>>
    tpu.enqueue_indirect_dma source(%dma_start3A_21 : memref<2048x1024xf32, #tpu.memory_space<hbm>>) target(%arg12 : memref<16x1024xf32, #tpu.memory_space<vmem>>) offsets(%dma_start3A_18 : memref<16xi32, #tpu.memory_space<vmem>>) semaphore(%arg16 : memref<!tpu.dma_semaphore, #tpu.memory_space<semaphore_mem>>)
    %add3A_22 = arith.constant 32 : i32
    %add3A_23 = arith.addi %mul3A_2, %add3A_22 : i32
    "tpu.region"() ({
      %run_scoped3A = tpu.sem_alloc : memref<!tpu.dma_semaphore, #tpu.memory_space<semaphore_mem>>
      %dma_start3A_41 = arith.constant 32 : i32
      %dma_start3A_42 = tpu.memref_slice %arg7[%dma_start3A_41] : memref<256xi32, #tpu.memory_space<vmem>> -> memref<224xi32, #tpu.memory_space<vmem>>
      %dma_start3A_43 = tpu.memref_slice %arg2[%add3A_23] : memref<8192xi32, #tpu.memory_space<hbm>> -> memref<224xi32, #tpu.memory_space<hbm>>
      %dma_start3A_44 = arith.constant 32 : i32
      %dma_start3A_45 = tpu.memref_slice %arg7[%dma_start3A_44] : memref<256xi32, #tpu.memory_space<vmem>> -> memref<224xi32, #tpu.memory_space<vmem>>
      %dma_start3A_46 = tpu.memref_slice %arg2[%add3A_23] : memref<8192xi32, #tpu.memory_space<hbm>> -> memref<224xi32, #tpu.memory_space<hbm>>
      tpu.enqueue_dma source(%dma_start3A_46 : memref<224xi32, #tpu.memory_space<hbm>>) target(%dma_start3A_45 : memref<224xi32, #tpu.memory_space<vmem>>) target_semaphore(%run_scoped3A : memref<!tpu.dma_semaphore, #tpu.memory_space<semaphore_mem>>)
      %dma_wait3A_47 = arith.constant 32 : i32
      %dma_wait3A_48 = tpu.memref_slice %arg7[%dma_wait3A_47] : memref<256xi32, #tpu.memory_space<vmem>> -> memref<224xi32, #tpu.memory_space<vmem>>
      %dma_wait3A_49 = tpu.memref_slice %arg2[%add3A_23] : memref<8192xi32, #tpu.memory_space<hbm>> -> memref<224xi32, #tpu.memory_space<hbm>>
      %dma_wait3A_50 = arith.constant 32 : i32
      %dma_wait3A_51 = tpu.memref_slice %arg7[%dma_wait3A_50] : memref<256xi32, #tpu.memory_space<vmem>> -> memref<224xi32, #tpu.memory_space<vmem>>
      %dma_wait3A_52 = tpu.memref_slice %arg2[%add3A_23] : memref<8192xi32, #tpu.memory_space<hbm>> -> memref<224xi32, #tpu.memory_space<hbm>>
      tpu.wait_dma2 semaphore(%run_scoped3A : memref<!tpu.dma_semaphore, #tpu.memory_space<semaphore_mem>>) src(%dma_wait3A_52 : memref<224xi32, #tpu.memory_space<hbm>>) dst(%dma_wait3A_51 : memref<224xi32, #tpu.memory_space<vmem>>)
      tpu.yield
    }) : () -> ()
    %add3A_24 = arith.constant 32 : i32
    %add3A_25 = arith.addi %mul3A_2, %add3A_24 : i32
    "tpu.region"() ({
      %run_scoped3A = tpu.sem_alloc : memref<!tpu.dma_semaphore, #tpu.memory_space<semaphore_mem>>
      %dma_start3A_41 = arith.constant 32 : i32
      %dma_start3A_42 = tpu.memref_slice %arg8[%dma_start3A_41] : memref<256xi32, #tpu.memory_space<vmem>> -> memref<224xi32, #tpu.memory_space<vmem>>
      %dma_start3A_43 = tpu.memref_slice %arg3[%add3A_25] : memref<8192xi32, #tpu.memory_space<hbm>> -> memref<224xi32, #tpu.memory_space<hbm>>
      %dma_start3A_44 = arith.constant 32 : i32
      %dma_start3A_45 = tpu.memref_slice %arg8[%dma_start3A_44] : memref<256xi32, #tpu.memory_space<vmem>> -> memref<224xi32, #tpu.memory_space<vmem>>
      %dma_start3A_46 = tpu.memref_slice %arg3[%add3A_25] : memref<8192xi32, #tpu.memory_space<hbm>> -> memref<224xi32, #tpu.memory_space<hbm>>
      tpu.enqueue_dma source(%dma_start3A_46 : memref<224xi32, #tpu.memory_space<hbm>>) target(%dma_start3A_45 : memref<224xi32, #tpu.memory_space<vmem>>) target_semaphore(%run_scoped3A : memref<!tpu.dma_semaphore, #tpu.memory_space<semaphore_mem>>)
      %dma_wait3A_47 = arith.constant 32 : i32
      %dma_wait3A_48 = tpu.memref_slice %arg8[%dma_wait3A_47] : memref<256xi32, #tpu.memory_space<vmem>> -> memref<224xi32, #tpu.memory_space<vmem>>
      %dma_wait3A_49 = tpu.memref_slice %arg3[%add3A_25] : memref<8192xi32, #tpu.memory_space<hbm>> -> memref<224xi32, #tpu.memory_space<hbm>>
      %dma_wait3A_50 = arith.constant 32 : i32
      %dma_wait3A_51 = tpu.memref_slice %arg8[%dma_wait3A_50] : memref<256xi32, #tpu.memory_space<vmem>> -> memref<224xi32, #tpu.memory_space<vmem>>
      %dma_wait3A_52 = tpu.memref_slice %arg3[%add3A_25] : memref<8192xi32, #tpu.memory_space<hbm>> -> memref<224xi32, #tpu.memory_space<hbm>>
      tpu.wait_dma2 semaphore(%run_scoped3A : memref<!tpu.dma_semaphore, #tpu.memory_space<semaphore_mem>>) src(%dma_wait3A_52 : memref<224xi32, #tpu.memory_space<hbm>>) dst(%dma_wait3A_51 : memref<224xi32, #tpu.memory_space<vmem>>)
      tpu.yield
    }) : () -> ()
    %scan3A = arith.constant 0 : i32
    %scan3A_26 = arith.constant 8 : i32
    %scan3A_27 = arith.addi %scan3A, %scan3A_26 : i32
    %scan3A_28 = arith.constant 1 : i32
    scf.for %scan3A_41 = %scan3A to %scan3A_27 step %scan3A_28  : i32 {
      %mul3A_42 = arith.constant 2 : i32
      %mul3A_43 = arith.muli %scan3A_41, %mul3A_42 : i32
      %add3A_44 = arith.constant 0 : i32
      %add3A_45 = arith.addi %add3A_44, %mul3A_43 : i32
      %add3A_46 = arith.constant 0 : i32
      %add3A_47 = arith.addi %add3A_45, %add3A_46 : i32
      %dma_wait3A_48 = arith.constant 0 : i32
      %dma_wait3A_49 = arith.constant 0 : i32
      %dma_wait3A_50 = tpu.memref_slice %arg4[%dma_wait3A_48, %dma_wait3A_49] : memref<100000x1024xf32, #tpu.memory_space<hbm>> -> memref<16x1024xf32, #tpu.memory_space<hbm>>
      %dma_wait3A_51 = arith.constant 0 : i32
      %dma_wait3A_52 = arith.constant 0 : i32
      %dma_wait3A_53 = tpu.memref_slice %arg4[%dma_wait3A_51, %dma_wait3A_52] : memref<100000x1024xf32, #tpu.memory_space<hbm>> -> memref<16x1024xf32, #tpu.memory_space<hbm>>
      tpu.wait_dma2 semaphore(%arg15 : memref<!tpu.dma_semaphore, #tpu.memory_space<semaphore_mem>>) src(%dma_wait3A_53 : memref<16x1024xf32, #tpu.memory_space<hbm>>) dst(%arg9 : memref<16x1024xf32, #tpu.memory_space<vmem>>)
      %dma_wait3A_54 = arith.constant 0 : i32
      %dma_wait3A_55 = arith.constant 0 : i32
      %dma_wait3A_56 = tpu.memref_slice %arg5[%dma_wait3A_54, %dma_wait3A_55] : memref<2048x1024xf32, #tpu.memory_space<hbm>> -> memref<16x1024xf32, #tpu.memory_space<hbm>>
      %dma_wait3A_57 = arith.constant 0 : i32
      %dma_wait3A_58 = arith.constant 0 : i32
      %dma_wait3A_59 = tpu.memref_slice %arg5[%dma_wait3A_57, %dma_wait3A_58] : memref<2048x1024xf32, #tpu.memory_space<hbm>> -> memref<16x1024xf32, #tpu.memory_space<hbm>>
      tpu.wait_dma2 semaphore(%arg15 : memref<!tpu.dma_semaphore, #tpu.memory_space<semaphore_mem>>) src(%dma_wait3A_59 : memref<16x1024xf32, #tpu.memory_space<hbm>>) dst(%arg11 : memref<16x1024xf32, #tpu.memory_space<vmem>>)
      %ge3A = arith.constant 2 : i32
      %ge3A_60 = arith.cmpi sge, %add3A_47, %ge3A : i32
      %convert_element_type3A = arith.extui %ge3A_60 : i1 to i32
      %cond3A = arith.constant 0 : i32
      %cond3A_61 = arith.cmpi ne, %convert_element_type3A, %cond3A : i32
      scf.if %cond3A_61 {
        %dma_wait3A_113 = arith.constant 0 : i32
        %dma_wait3A_114 = arith.constant 0 : i32
        %dma_wait3A_115 = tpu.memref_slice %arg6[%dma_wait3A_113, %dma_wait3A_114] : memref<8192x1024xf32, #tpu.memory_space<hbm>> -> memref<16x1024xf32, #tpu.memory_space<hbm>>
        %dma_wait3A_116 = arith.constant 0 : i32
        %dma_wait3A_117 = arith.constant 0 : i32
        %dma_wait3A_118 = tpu.memref_slice %arg6[%dma_wait3A_116, %dma_wait3A_117] : memref<8192x1024xf32, #tpu.memory_space<hbm>> -> memref<16x1024xf32, #tpu.memory_space<hbm>>
        tpu.wait_dma2 semaphore(%arg17 : memref<!tpu.dma_semaphore, #tpu.memory_space<semaphore_mem>>) src(%arg13 : memref<16x1024xf32, #tpu.memory_space<vmem>>) dst(%dma_wait3A_118 : memref<16x1024xf32, #tpu.memory_space<hbm>>)
      } else {
      }
      %parallel_loop3A = arith.constant 0 : i32
      %parallel_loop3A_62 = arith.constant 128 : i32
      %parallel_loop3A_63 = arith.constant 1 : i32
      scf.for %parallel_loop3A_113 = %parallel_loop3A to %parallel_loop3A_62 step %parallel_loop3A_63  : i32 {
        %parallel_loop3A_114 = arith.constant 3 : i32
        %parallel_loop3A_115 = arith.shrsi %parallel_loop3A_113, %parallel_loop3A_114 : i32
        %parallel_loop3A_116 = arith.constant 7 : i32
        %parallel_loop3A_117 = arith.andi %parallel_loop3A_113, %parallel_loop3A_116 : i32
        %parallel_loop3A_118 = arith.constant 8 : i32
        %parallel_loop3A_119 = arith.muli %parallel_loop3A_117, %parallel_loop3A_118 : i32
        %parallel_loop3A_120 = arith.constant 16 : i32
        %parallel_loop3A_121 = arith.muli %parallel_loop3A_119, %parallel_loop3A_120 : i32
        %parallel_loop3A_122 = arith.constant 0 : i32
        %parallel_loop3A_123 = arith.addi %parallel_loop3A_121, %parallel_loop3A_122 : i32
        %parallel_loop3A_124 = arith.index_cast %parallel_loop3A_115 : i32 to index
        %parallel_loop3A_125 = arith.index_cast %parallel_loop3A_123 : i32 to index
        %parallel_loop3A_126 = tpu.vector_load %arg9[%parallel_loop3A_124, %parallel_loop3A_125] {strides = array<i32>} : memref<16x1024xf32, #tpu.memory_space<vmem>>, vector<1x16xf32>,
        %parallel_loop3A_127 = vector.shape_cast %parallel_loop3A_126 : vector<1x16xf32> to vector<16xf32>
        %parallel_loop3A_128 = arith.index_cast %parallel_loop3A_115 : i32 to index
        %parallel_loop3A_129 = arith.index_cast %parallel_loop3A_123 : i32 to index
        %parallel_loop3A_130 = tpu.vector_load %arg11[%parallel_loop3A_128, %parallel_loop3A_129] {strides = array<i32>} : memref<16x1024xf32, #tpu.memory_space<vmem>>, vector<1x16xf32>,
        %parallel_loop3A_131 = vector.shape_cast %parallel_loop3A_130 : vector<1x16xf32> to vector<16xf32>
        %parallel_loop3A_132 = arith.addf %parallel_loop3A_127, %parallel_loop3A_131 : vector<16xf32>
        %parallel_loop3A_133 = arith.index_cast %parallel_loop3A_115 : i32 to index
        %parallel_loop3A_134 = arith.index_cast %parallel_loop3A_123 : i32 to index
        %parallel_loop3A_135 = tpu.vector_load %arg13[%parallel_loop3A_133, %parallel_loop3A_134] {strides = array<i32>} : memref<16x1024xf32, #tpu.memory_space<vmem>>, vector<1x16xf32>,
        %parallel_loop3A_136 = vector.shape_cast %parallel_loop3A_135 : vector<1x16xf32> to vector<16xf32>
        %parallel_loop3A_137 = vector.shape_cast %parallel_loop3A_132 : vector<16xf32> to vector<1x16xf32>
        tpu.vector_store %arg13[%parallel_loop3A_133, %parallel_loop3A_134], %parallel_loop3A_137 {strides = array<i32>} : memref<16x1024xf32, #tpu.memory_space<vmem>>, vector<1x16xf32>,
        %parallel_loop3A_138 = arith.constant 16 : i32
        %parallel_loop3A_139 = arith.addi %parallel_loop3A_121, %parallel_loop3A_138 : i32
        %parallel_loop3A_140 = arith.index_cast %parallel_loop3A_115 : i32 to index
        %parallel_loop3A_141 = arith.index_cast %parallel_loop3A_139 : i32 to index
        %parallel_loop3A_142 = tpu.vector_load %arg9[%parallel_loop3A_140, %parallel_loop3A_141] {strides = array<i32>} : memref<16x1024xf32, #tpu.memory_space<vmem>>, vector<1x16xf32>,
        %parallel_loop3A_143 = vector.shape_cast %parallel_loop3A_142 : vector<1x16xf32> to vector<16xf32>
        %parallel_loop3A_144 = arith.index_cast %parallel_loop3A_115 : i32 to index
        %parallel_loop3A_145 = arith.index_cast %parallel_loop3A_139 : i32 to index
        %parallel_loop3A_146 = tpu.vector_load %arg11[%parallel_loop3A_144, %parallel_loop3A_145] {strides = array<i32>} : memref<16x1024xf32, #tpu.memory_space<vmem>>, vector<1x16xf32>,
        %parallel_loop3A_147 = vector.shape_cast %parallel_loop3A_146 : vector<1x16xf32> to vector<16xf32>
        %parallel_loop3A_148 = arith.addf %parallel_loop3A_143, %parallel_loop3A_147 : vector<16xf32>
        %parallel_loop3A_149 = arith.index_cast %parallel_loop3A_115 : i32 to index
        %parallel_loop3A_150 = arith.index_cast %parallel_loop3A_139 : i32 to index
        %parallel_loop3A_151 = tpu.vector_load %arg13[%parallel_loop3A_149, %parallel_loop3A_150] {strides = array<i32>} : memref<16x1024xf32, #tpu.memory_space<vmem>>, vector<1x16xf32>,
        %parallel_loop3A_152 = vector.shape_cast %parallel_loop3A_151 : vector<1x16xf32> to vector<16xf32>
        %parallel_loop3A_153 = vector.shape_cast %parallel_loop3A_148 : vector<16xf32> to vector<1x16xf32>
        tpu.vector_store %arg13[%parallel_loop3A_149, %parallel_loop3A_150], %parallel_loop3A_153 {strides = array<i32>} : memref<16x1024xf32, #tpu.memory_space<vmem>>, vector<1x16xf32>,
        %parallel_loop3A_154 = arith.constant 32 : i32
        %parallel_loop3A_155 = arith.addi %parallel_loop3A_121, %parallel_loop3A_154 : i32
        %parallel_loop3A_156 = arith.index_cast %parallel_loop3A_115 : i32 to index
        %parallel_loop3A_157 = arith.index_cast %parallel_loop3A_155 : i32 to index
        %parallel_loop3A_158 = tpu.vector_load %arg9[%parallel_loop3A_156, %parallel_loop3A_157] {strides = array<i32>} : memref<16x1024xf32, #tpu.memory_space<vmem>>, vector<1x16xf32>,
        %parallel_loop3A_159 = vector.shape_cast %parallel_loop3A_158 : vector<1x16xf32> to vector<16xf32>
        %parallel_loop3A_160 = arith.index_cast %parallel_loop3A_115 : i32 to index
        %parallel_loop3A_161 = arith.index_cast %parallel_loop3A_155 : i32 to index
        %parallel_loop3A_162 = tpu.vector_load %arg11[%parallel_loop3A_160, %parallel_loop3A_161] {strides = array<i32>} : memref<16x1024xf32, #tpu.memory_space<vmem>>, vector<1x16xf32>,
        %parallel_loop3A_163 = vector.shape_cast %parallel_loop3A_162 : vector<1x16xf32> to vector<16xf32>
        %parallel_loop3A_164 = arith.addf %parallel_loop3A_159, %parallel_loop3A_163 : vector<16xf32>
        %parallel_loop3A_165 = arith.index_cast %parallel_loop3A_115 : i32 to index
        %parallel_loop3A_166 = arith.index_cast %parallel_loop3A_155 : i32 to index
        %parallel_loop3A_167 = tpu.vector_load %arg13[%parallel_loop3A_165, %parallel_loop3A_166] {strides = array<i32>} : memref<16x1024xf32, #tpu.memory_space<vmem>>, vector<1x16xf32>,
        %parallel_loop3A_168 = vector.shape_cast %parallel_loop3A_167 : vector<1x16xf32> to vector<16xf32>
        %parallel_loop3A_169 = vector.shape_cast %parallel_loop3A_164 : vector<16xf32> to vector<1x16xf32>
        tpu.vector_store %arg13[%parallel_loop3A_165, %parallel_loop3A_166], %parallel_loop3A_169 {strides = array<i32>} : memref<16x1024xf32, #tpu.memory_space<vmem>>, vector<1x16xf32>,
        %parallel_loop3A_170 = arith.constant 48 : i32
        %parallel_loop3A_171 = arith.addi %parallel_loop3A_121, %parallel_loop3A_170 : i32
        %parallel_loop3A_172 = arith.index_cast %parallel_loop3A_115 : i32 to index
        %parallel_loop3A_173 = arith.index_cast %parallel_loop3A_171 : i32 to index
        %parallel_loop3A_174 = tpu.vector_load %arg9[%parallel_loop3A_172, %parallel_loop3A_173] {strides = array<i32>} : memref<16x1024xf32, #tpu.memory_space<vmem>>, vector<1x16xf32>,
        %parallel_loop3A_175 = vector.shape_cast %parallel_loop3A_174 : vector<1x16xf32> to vector<16xf32>
        %parallel_loop3A_176 = arith.index_cast %parallel_loop3A_115 : i32 to index
        %parallel_loop3A_177 = arith.index_cast %parallel_loop3A_171 : i32 to index
        %parallel_loop3A_178 = tpu.vector_load %arg11[%parallel_loop3A_176, %parallel_loop3A_177] {strides = array<i32>} : memref<16x1024xf32, #tpu.memory_space<vmem>>, vector<1x16xf32>,
        %parallel_loop3A_179 = vector.shape_cast %parallel_loop3A_178 : vector<1x16xf32> to vector<16xf32>
        %parallel_loop3A_180 = arith.addf %parallel_loop3A_175, %parallel_loop3A_179 : vector<16xf32>
        %parallel_loop3A_181 = arith.index_cast %parallel_loop3A_115 : i32 to index
        %parallel_loop3A_182 = arith.index_cast %parallel_loop3A_171 : i32 to index
        %parallel_loop3A_183 = tpu.vector_load %arg13[%parallel_loop3A_181, %parallel_loop3A_182] {strides = array<i32>} : memref<16x1024xf32, #tpu.memory_space<vmem>>, vector<1x16xf32>,
        %parallel_loop3A_184 = vector.shape_cast %parallel_loop3A_183 : vector<1x16xf32> to vector<16xf32>
        %parallel_loop3A_185 = vector.shape_cast %parallel_loop3A_180 : vector<16xf32> to vector<1x16xf32>
        tpu.vector_store %arg13[%parallel_loop3A_181, %parallel_loop3A_182], %parallel_loop3A_185 {strides = array<i32>} : memref<16x1024xf32, #tpu.memory_space<vmem>>, vector<1x16xf32>,
        %parallel_loop3A_186 = arith.constant 64 : i32
        %parallel_loop3A_187 = arith.addi %parallel_loop3A_121, %parallel_loop3A_186 : i32
        %parallel_loop3A_188 = arith.index_cast %parallel_loop3A_115 : i32 to index
        %parallel_loop3A_189 = arith.index_cast %parallel_loop3A_187 : i32 to index
        %parallel_loop3A_190 = tpu.vector_load %arg9[%parallel_loop3A_188, %parallel_loop3A_189] {strides = array<i32>} : memref<16x1024xf32, #tpu.memory_space<vmem>>, vector<1x16xf32>,
        %parallel_loop3A_191 = vector.shape_cast %parallel_loop3A_190 : vector<1x16xf32> to vector<16xf32>
        %parallel_loop3A_192 = arith.index_cast %parallel_loop3A_115 : i32 to index
        %parallel_loop3A_193 = arith.index_cast %parallel_loop3A_187 : i32 to index
        %parallel_loop3A_194 = tpu.vector_load %arg11[%parallel_loop3A_192, %parallel_loop3A_193] {strides = array<i32>} : memref<16x1024xf32, #tpu.memory_space<vmem>>, vector<1x16xf32>,
        %parallel_loop3A_195 = vector.shape_cast %parallel_loop3A_194 : vector<1x16xf32> to vector<16xf32>
        %parallel_loop3A_196 = arith.addf %parallel_loop3A_191, %parallel_loop3A_195 : vector<16xf32>
        %parallel_loop3A_197 = arith.index_cast %parallel_loop3A_115 : i32 to index
        %parallel_loop3A_198 = arith.index_cast %parallel_loop3A_187 : i32 to index
        %parallel_loop3A_199 = tpu.vector_load %arg13[%parallel_loop3A_197, %parallel_loop3A_198] {strides = array<i32>} : memref<16x1024xf32, #tpu.memory_space<vmem>>, vector<1x16xf32>,
        %parallel_loop3A_200 = vector.shape_cast %parallel_loop3A_199 : vector<1x16xf32> to vector<16xf32>
        %parallel_loop3A_201 = vector.shape_cast %parallel_loop3A_196 : vector<16xf32> to vector<1x16xf32>
        tpu.vector_store %arg13[%parallel_loop3A_197, %parallel_loop3A_198], %parallel_loop3A_201 {strides = array<i32>} : memref<16x1024xf32, #tpu.memory_space<vmem>>, vector<1x16xf32>,
        %parallel_loop3A_202 = arith.constant 80 : i32
        %parallel_loop3A_203 = arith.addi %parallel_loop3A_121, %parallel_loop3A_202 : i32
        %parallel_loop3A_204 = arith.index_cast %parallel_loop3A_115 : i32 to index
        %parallel_loop3A_205 = arith.index_cast %parallel_loop3A_203 : i32 to index
        %parallel_loop3A_206 = tpu.vector_load %arg9[%parallel_loop3A_204, %parallel_loop3A_205] {strides = array<i32>} : memref<16x1024xf32, #tpu.memory_space<vmem>>, vector<1x16xf32>,
        %parallel_loop3A_207 = vector.shape_cast %parallel_loop3A_206 : vector<1x16xf32> to vector<16xf32>
        %parallel_loop3A_208 = arith.index_cast %parallel_loop3A_115 : i32 to index
        %parallel_loop3A_209 = arith.index_cast %parallel_loop3A_203 : i32 to index
        %parallel_loop3A_210 = tpu.vector_load %arg11[%parallel_loop3A_208, %parallel_loop3A_209] {strides = array<i32>} : memref<16x1024xf32, #tpu.memory_space<vmem>>, vector<1x16xf32>,
        %parallel_loop3A_211 = vector.shape_cast %parallel_loop3A_210 : vector<1x16xf32> to vector<16xf32>
        %parallel_loop3A_212 = arith.addf %parallel_loop3A_207, %parallel_loop3A_211 : vector<16xf32>
        %parallel_loop3A_213 = arith.index_cast %parallel_loop3A_115 : i32 to index
        %parallel_loop3A_214 = arith.index_cast %parallel_loop3A_203 : i32 to index
        %parallel_loop3A_215 = tpu.vector_load %arg13[%parallel_loop3A_213, %parallel_loop3A_214] {strides = array<i32>} : memref<16x1024xf32, #tpu.memory_space<vmem>>, vector<1x16xf32>,
        %parallel_loop3A_216 = vector.shape_cast %parallel_loop3A_215 : vector<1x16xf32> to vector<16xf32>
        %parallel_loop3A_217 = vector.shape_cast %parallel_loop3A_212 : vector<16xf32> to vector<1x16xf32>
        tpu.vector_store %arg13[%parallel_loop3A_213, %parallel_loop3A_214], %parallel_loop3A_217 {strides = array<i32>} : memref<16x1024xf32, #tpu.memory_space<vmem>>, vector<1x16xf32>,
        %parallel_loop3A_218 = arith.constant 96 : i32
        %parallel_loop3A_219 = arith.addi %parallel_loop3A_121, %parallel_loop3A_218 : i32
        %parallel_loop3A_220 = arith.index_cast %parallel_loop3A_115 : i32 to index
        %parallel_loop3A_221 = arith.index_cast %parallel_loop3A_219 : i32 to index
        %parallel_loop3A_222 = tpu.vector_load %arg9[%parallel_loop3A_220, %parallel_loop3A_221] {strides = array<i32>} : memref<16x1024xf32, #tpu.memory_space<vmem>>, vector<1x16xf32>,
        %parallel_loop3A_223 = vector.shape_cast %parallel_loop3A_222 : vector<1x16xf32> to vector<16xf32>
        %parallel_loop3A_224 = arith.index_cast %parallel_loop3A_115 : i32 to index
        %parallel_loop3A_225 = arith.index_cast %parallel_loop3A_219 : i32 to index
        %parallel_loop3A_226 = tpu.vector_load %arg11[%parallel_loop3A_224, %parallel_loop3A_225] {strides = array<i32>} : memref<16x1024xf32, #tpu.memory_space<vmem>>, vector<1x16xf32>,
        %parallel_loop3A_227 = vector.shape_cast %parallel_loop3A_226 : vector<1x16xf32> to vector<16xf32>
        %parallel_loop3A_228 = arith.addf %parallel_loop3A_223, %parallel_loop3A_227 : vector<16xf32>
        %parallel_loop3A_229 = arith.index_cast %parallel_loop3A_115 : i32 to index
        %parallel_loop3A_230 = arith.index_cast %parallel_loop3A_219 : i32 to index
        %parallel_loop3A_231 = tpu.vector_load %arg13[%parallel_loop3A_229, %parallel_loop3A_230] {strides = array<i32>} : memref<16x1024xf32, #tpu.memory_space<vmem>>, vector<1x16xf32>,
        %parallel_loop3A_232 = vector.shape_cast %parallel_loop3A_231 : vector<1x16xf32> to vector<16xf32>
        %parallel_loop3A_233 = vector.shape_cast %parallel_loop3A_228 : vector<16xf32> to vector<1x16xf32>
        tpu.vector_store %arg13[%parallel_loop3A_229, %parallel_loop3A_230], %parallel_loop3A_233 {strides = array<i32>} : memref<16x1024xf32, #tpu.memory_space<vmem>>, vector<1x16xf32>,
        %parallel_loop3A_234 = arith.constant 112 : i32
        %parallel_loop3A_235 = arith.addi %parallel_loop3A_121, %parallel_loop3A_234 : i32
        %parallel_loop3A_236 = arith.index_cast %parallel_loop3A_115 : i32 to index
        %parallel_loop3A_237 = arith.index_cast %parallel_loop3A_235 : i32 to index
        %parallel_loop3A_238 = tpu.vector_load %arg9[%parallel_loop3A_236, %parallel_loop3A_237] {strides = array<i32>} : memref<16x1024xf32, #tpu.memory_space<vmem>>, vector<1x16xf32>,
        %parallel_loop3A_239 = vector.shape_cast %parallel_loop3A_238 : vector<1x16xf32> to vector<16xf32>
        %parallel_loop3A_240 = arith.index_cast %parallel_loop3A_115 : i32 to index
        %parallel_loop3A_241 = arith.index_cast %parallel_loop3A_235 : i32 to index
        %parallel_loop3A_242 = tpu.vector_load %arg11[%parallel_loop3A_240, %parallel_loop3A_241] {strides = array<i32>} : memref<16x1024xf32, #tpu.memory_space<vmem>>, vector<1x16xf32>,
        %parallel_loop3A_243 = vector.shape_cast %parallel_loop3A_242 : vector<1x16xf32> to vector<16xf32>
        %parallel_loop3A_244 = arith.addf %parallel_loop3A_239, %parallel_loop3A_243 : vector<16xf32>
        %parallel_loop3A_245 = arith.index_cast %parallel_loop3A_115 : i32 to index
        %parallel_loop3A_246 = arith.index_cast %parallel_loop3A_235 : i32 to index
        %parallel_loop3A_247 = tpu.vector_load %arg13[%parallel_loop3A_245, %parallel_loop3A_246] {strides = array<i32>} : memref<16x1024xf32, #tpu.memory_space<vmem>>, vector<1x16xf32>,
        %parallel_loop3A_248 = vector.shape_cast %parallel_loop3A_247 : vector<1x16xf32> to vector<16xf32>
        %parallel_loop3A_249 = vector.shape_cast %parallel_loop3A_244 : vector<16xf32> to vector<1x16xf32>
        tpu.vector_store %arg13[%parallel_loop3A_245, %parallel_loop3A_246], %parallel_loop3A_249 {strides = array<i32>} : memref<16x1024xf32, #tpu.memory_space<vmem>>, vector<1x16xf32>,
      } {sc.loop_unroll_factor = 1 : i64, sc.parallel_access}
      %add3A_64 = arith.constant 2 : i32
      %add3A_65 = arith.addi %add3A_47, %add3A_64 : i32
      %lt3A = arith.constant 16 : i32
      %lt3A_66 = arith.cmpi slt, %add3A_65, %lt3A : i32
      %convert_element_type3A_67 = arith.extui %lt3A_66 : i1 to i32
      %cond3A_68 = arith.constant 0 : i32
      %cond3A_69 = arith.cmpi ne, %convert_element_type3A_67, %cond3A_68 : i32
      scf.if %cond3A_69 {
        %add3A_113 = arith.constant 2 : i32
        %add3A_114 = arith.addi %add3A_47, %add3A_113 : i32
        %mul3A_115 = arith.constant 16 : i32
        %mul3A_116 = arith.muli %add3A_114, %mul3A_115 : i32
        %dma_start3A_117 = tpu.memref_slice %arg7[%mul3A_116] : memref<256xi32, #tpu.memory_space<vmem>> -> memref<16xi32, #tpu.memory_space<vmem>>
        %dma_start3A_118 = arith.constant 0 : i32
        %dma_start3A_119 = arith.constant 0 : i32
        %dma_start3A_120 = tpu.memref_slice %arg4[%dma_start3A_118, %dma_start3A_119] : memref<100000x1024xf32, #tpu.memory_space<hbm>> -> memref<100000x1024xf32, #tpu.memory_space<hbm>>
        tpu.enqueue_indirect_dma source(%dma_start3A_120 : memref<100000x1024xf32, #tpu.memory_space<hbm>>) target(%arg9 : memref<16x1024xf32, #tpu.memory_space<vmem>>) offsets(%dma_start3A_117 : memref<16xi32, #tpu.memory_space<vmem>>) semaphore(%arg15 : memref<!tpu.dma_semaphore, #tpu.memory_space<semaphore_mem>>)
        %mul3A_121 = arith.constant 16 : i32
        %mul3A_122 = arith.muli %add3A_114, %mul3A_121 : i32
        %dma_start3A_123 = tpu.memref_slice %arg8[%mul3A_122] : memref<256xi32, #tpu.memory_space<vmem>> -> memref<16xi32, #tpu.memory_space<vmem>>
        %dma_start3A_124 = arith.constant 0 : i32
        %dma_start3A_125 = arith.constant 0 : i32
        %dma_start3A_126 = tpu.memref_slice %arg5[%dma_start3A_124, %dma_start3A_125] : memref<2048x1024xf32, #tpu.memory_space<hbm>> -> memref<2048x1024xf32, #tpu.memory_space<hbm>>
        tpu.enqueue_indirect_dma source(%dma_start3A_126 : memref<2048x1024xf32, #tpu.memory_space<hbm>>) target(%arg11 : memref<16x1024xf32, #tpu.memory_space<vmem>>) offsets(%dma_start3A_123 : memref<16xi32, #tpu.memory_space<vmem>>) semaphore(%arg15 : memref<!tpu.dma_semaphore, #tpu.memory_space<semaphore_mem>>)
      } else {
      }
      %mul3A_70 = arith.constant 16 : i32
      %mul3A_71 = arith.muli %add3A_47, %mul3A_70 : i32
      %add3A_72 = arith.addi %mul3A_2, %mul3A_71 : i32
      %dma_start3A_73 = arith.constant 0 : i32
      %dma_start3A_74 = tpu.memref_slice %arg6[%add3A_72, %dma_start3A_73] : memref<8192x1024xf32, #tpu.memory_space<hbm>> -> memref<16x1024xf32, #tpu.memory_space<hbm>>
      %dma_start3A_75 = arith.constant 0 : i32
      %dma_start3A_76 = tpu.memref_slice %arg6[%add3A_72, %dma_start3A_75] : memref<8192x1024xf32, #tpu.memory_space<hbm>> -> memref<16x1024xf32, #tpu.memory_space<hbm>>
      tpu.enqueue_dma source(%arg13 : memref<16x1024xf32, #tpu.memory_space<vmem>>) target(%dma_start3A_76 : memref<16x1024xf32, #tpu.memory_space<hbm>>) target_semaphore(%arg17 : memref<!tpu.dma_semaphore, #tpu.memory_space<semaphore_mem>>)
      %add3A_77 = arith.constant 1 : i32
      %add3A_78 = arith.addi %add3A_45, %add3A_77 : i32
      %dma_wait3A_79 = arith.constant 0 : i32
      %dma_wait3A_80 = arith.constant 0 : i32
      %dma_wait3A_81 = tpu.memref_slice %arg4[%dma_wait3A_79, %dma_wait3A_80] : memref<100000x1024xf32, #tpu.memory_space<hbm>> -> memref<16x1024xf32, #tpu.memory_space<hbm>>
      %dma_wait3A_82 = arith.constant 0 : i32
      %dma_wait3A_83 = arith.constant 0 : i32
      %dma_wait3A_84 = tpu.memref_slice %arg4[%dma_wait3A_82, %dma_wait3A_83] : memref<100000x1024xf32, #tpu.memory_space<hbm>> -> memref<16x1024xf32, #tpu.memory_space<hbm>>
      tpu.wait_dma2 semaphore(%arg16 : memref<!tpu.dma_semaphore, #tpu.memory_space<semaphore_mem>>) src(%dma_wait3A_84 : memref<16x1024xf32, #tpu.memory_space<hbm>>) dst(%arg10 : memref<16x1024xf32, #tpu.memory_space<vmem>>)
      %dma_wait3A_85 = arith.constant 0 : i32
      %dma_wait3A_86 = arith.constant 0 : i32
      %dma_wait3A_87 = tpu.memref_slice %arg5[%dma_wait3A_85, %dma_wait3A_86] : memref<2048x1024xf32, #tpu.memory_space<hbm>> -> memref<16x1024xf32, #tpu.memory_space<hbm>>
      %dma_wait3A_88 = arith.constant 0 : i32
      %dma_wait3A_89 = arith.constant 0 : i32
      %dma_wait3A_90 = tpu.memref_slice %arg5[%dma_wait3A_88, %dma_wait3A_89] : memref<2048x1024xf32, #tpu.memory_space<hbm>> -> memref<16x1024xf32, #tpu.memory_space<hbm>>
      tpu.wait_dma2 semaphore(%arg16 : memref<!tpu.dma_semaphore, #tpu.memory_space<semaphore_mem>>) src(%dma_wait3A_90 : memref<16x1024xf32, #tpu.memory_space<hbm>>) dst(%arg12 : memref<16x1024xf32, #tpu.memory_space<vmem>>)
      %ge3A_91 = arith.constant 2 : i32
      %ge3A_92 = arith.cmpi sge, %add3A_78, %ge3A_91 : i32
      %convert_element_type3A_93 = arith.extui %ge3A_92 : i1 to i32
      %cond3A_94 = arith.constant 0 : i32
      %cond3A_95 = arith.cmpi ne, %convert_element_type3A_93, %cond3A_94 : i32
      scf.if %cond3A_95 {
        %dma_wait3A_113 = arith.constant 0 : i32
        %dma_wait3A_114 = arith.constant 0 : i32
        %dma_wait3A_115 = tpu.memref_slice %arg6[%dma_wait3A_113, %dma_wait3A_114] : memref<8192x1024xf32, #tpu.memory_space<hbm>> -> memref<16x1024xf32, #tpu.memory_space<hbm>>
        %dma_wait3A_116 = arith.constant 0 : i32
        %dma_wait3A_117 = arith.constant 0 : i32
        %dma_wait3A_118 = tpu.memref_slice %arg6[%dma_wait3A_116, %dma_wait3A_117] : memref<8192x1024xf32, #tpu.memory_space<hbm>> -> memref<16x1024xf32, #tpu.memory_space<hbm>>
        tpu.wait_dma2 semaphore(%arg18 : memref<!tpu.dma_semaphore, #tpu.memory_space<semaphore_mem>>) src(%arg14 : memref<16x1024xf32, #tpu.memory_space<vmem>>) dst(%dma_wait3A_118 : memref<16x1024xf32, #tpu.memory_space<hbm>>)
      } else {
      }
      %parallel_loop3A_96 = arith.constant 0 : i32
      %parallel_loop3A_97 = arith.constant 128 : i32
      %parallel_loop3A_98 = arith.constant 1 : i32
      scf.for %parallel_loop3A_113 = %parallel_loop3A_96 to %parallel_loop3A_97 step %parallel_loop3A_98  : i32 {
        %parallel_loop3A_114 = arith.constant 3 : i32
        %parallel_loop3A_115 = arith.shrsi %parallel_loop3A_113, %parallel_loop3A_114 : i32
        %parallel_loop3A_116 = arith.constant 7 : i32
        %parallel_loop3A_117 = arith.andi %parallel_loop3A_113, %parallel_loop3A_116 : i32
        %parallel_loop3A_118 = arith.constant 8 : i32
        %parallel_loop3A_119 = arith.muli %parallel_loop3A_117, %parallel_loop3A_118 : i32
        %parallel_loop3A_120 = arith.constant 16 : i32
        %parallel_loop3A_121 = arith.muli %parallel_loop3A_119, %parallel_loop3A_120 : i32
        %parallel_loop3A_122 = arith.constant 0 : i32
        %parallel_loop3A_123 = arith.addi %parallel_loop3A_121, %parallel_loop3A_122 : i32
        %parallel_loop3A_124 = arith.index_cast %parallel_loop3A_115 : i32 to index
        %parallel_loop3A_125 = arith.index_cast %parallel_loop3A_123 : i32 to index
        %parallel_loop3A_126 = tpu.vector_load %arg10[%parallel_loop3A_124, %parallel_loop3A_125] {strides = array<i32>} : memref<16x1024xf32, #tpu.memory_space<vmem>>, vector<1x16xf32>,
        %parallel_loop3A_127 = vector.shape_cast %parallel_loop3A_126 : vector<1x16xf32> to vector<16xf32>
        %parallel_loop3A_128 = arith.index_cast %parallel_loop3A_115 : i32 to index
        %parallel_loop3A_129 = arith.index_cast %parallel_loop3A_123 : i32 to index
        %parallel_loop3A_130 = tpu.vector_load %arg12[%parallel_loop3A_128, %parallel_loop3A_129] {strides = array<i32>} : memref<16x1024xf32, #tpu.memory_space<vmem>>, vector<1x16xf32>,
        %parallel_loop3A_131 = vector.shape_cast %parallel_loop3A_130 : vector<1x16xf32> to vector<16xf32>
        %parallel_loop3A_132 = arith.addf %parallel_loop3A_127, %parallel_loop3A_131 : vector<16xf32>
        %parallel_loop3A_133 = arith.index_cast %parallel_loop3A_115 : i32 to index
        %parallel_loop3A_134 = arith.index_cast %parallel_loop3A_123 : i32 to index
        %parallel_loop3A_135 = tpu.vector_load %arg14[%parallel_loop3A_133, %parallel_loop3A_134] {strides = array<i32>} : memref<16x1024xf32, #tpu.memory_space<vmem>>, vector<1x16xf32>,
        %parallel_loop3A_136 = vector.shape_cast %parallel_loop3A_135 : vector<1x16xf32> to vector<16xf32>
        %parallel_loop3A_137 = vector.shape_cast %parallel_loop3A_132 : vector<16xf32> to vector<1x16xf32>
        tpu.vector_store %arg14[%parallel_loop3A_133, %parallel_loop3A_134], %parallel_loop3A_137 {strides = array<i32>} : memref<16x1024xf32, #tpu.memory_space<vmem>>, vector<1x16xf32>,
        %parallel_loop3A_138 = arith.constant 16 : i32
        %parallel_loop3A_139 = arith.addi %parallel_loop3A_121, %parallel_loop3A_138 : i32
        %parallel_loop3A_140 = arith.index_cast %parallel_loop3A_115 : i32 to index
        %parallel_loop3A_141 = arith.index_cast %parallel_loop3A_139 : i32 to index
        %parallel_loop3A_142 = tpu.vector_load %arg10[%parallel_loop3A_140, %parallel_loop3A_141] {strides = array<i32>} : memref<16x1024xf32, #tpu.memory_space<vmem>>, vector<1x16xf32>,
        %parallel_loop3A_143 = vector.shape_cast %parallel_loop3A_142 : vector<1x16xf32> to vector<16xf32>
        %parallel_loop3A_144 = arith.index_cast %parallel_loop3A_115 : i32 to index
        %parallel_loop3A_145 = arith.index_cast %parallel_loop3A_139 : i32 to index
        %parallel_loop3A_146 = tpu.vector_load %arg12[%parallel_loop3A_144, %parallel_loop3A_145] {strides = array<i32>} : memref<16x1024xf32, #tpu.memory_space<vmem>>, vector<1x16xf32>,
        %parallel_loop3A_147 = vector.shape_cast %parallel_loop3A_146 : vector<1x16xf32> to vector<16xf32>
        %parallel_loop3A_148 = arith.addf %parallel_loop3A_143, %parallel_loop3A_147 : vector<16xf32>
        %parallel_loop3A_149 = arith.index_cast %parallel_loop3A_115 : i32 to index
        %parallel_loop3A_150 = arith.index_cast %parallel_loop3A_139 : i32 to index
        %parallel_loop3A_151 = tpu.vector_load %arg14[%parallel_loop3A_149, %parallel_loop3A_150] {strides = array<i32>} : memref<16x1024xf32, #tpu.memory_space<vmem>>, vector<1x16xf32>,
        %parallel_loop3A_152 = vector.shape_cast %parallel_loop3A_151 : vector<1x16xf32> to vector<16xf32>
        %parallel_loop3A_153 = vector.shape_cast %parallel_loop3A_148 : vector<16xf32> to vector<1x16xf32>
        tpu.vector_store %arg14[%parallel_loop3A_149, %parallel_loop3A_150], %parallel_loop3A_153 {strides = array<i32>} : memref<16x1024xf32, #tpu.memory_space<vmem>>, vector<1x16xf32>,
        %parallel_loop3A_154 = arith.constant 32 : i32
        %parallel_loop3A_155 = arith.addi %parallel_loop3A_121, %parallel_loop3A_154 : i32
        %parallel_loop3A_156 = arith.index_cast %parallel_loop3A_115 : i32 to index
        %parallel_loop3A_157 = arith.index_cast %parallel_loop3A_155 : i32 to index
        %parallel_loop3A_158 = tpu.vector_load %arg10[%parallel_loop3A_156, %parallel_loop3A_157] {strides = array<i32>} : memref<16x1024xf32, #tpu.memory_space<vmem>>, vector<1x16xf32>,
        %parallel_loop3A_159 = vector.shape_cast %parallel_loop3A_158 : vector<1x16xf32> to vector<16xf32>
        %parallel_loop3A_160 = arith.index_cast %parallel_loop3A_115 : i32 to index
        %parallel_loop3A_161 = arith.index_cast %parallel_loop3A_155 : i32 to index
        %parallel_loop3A_162 = tpu.vector_load %arg12[%parallel_loop3A_160, %parallel_loop3A_161] {strides = array<i32>} : memref<16x1024xf32, #tpu.memory_space<vmem>>, vector<1x16xf32>,
        %parallel_loop3A_163 = vector.shape_cast %parallel_loop3A_162 : vector<1x16xf32> to vector<16xf32>
        %parallel_loop3A_164 = arith.addf %parallel_loop3A_159, %parallel_loop3A_163 : vector<16xf32>
        %parallel_loop3A_165 = arith.index_cast %parallel_loop3A_115 : i32 to index
        %parallel_loop3A_166 = arith.index_cast %parallel_loop3A_155 : i32 to index
        %parallel_loop3A_167 = tpu.vector_load %arg14[%parallel_loop3A_165, %parallel_loop3A_166] {strides = array<i32>} : memref<16x1024xf32, #tpu.memory_space<vmem>>, vector<1x16xf32>,
        %parallel_loop3A_168 = vector.shape_cast %parallel_loop3A_167 : vector<1x16xf32> to vector<16xf32>
        %parallel_loop3A_169 = vector.shape_cast %parallel_loop3A_164 : vector<16xf32> to vector<1x16xf32>
        tpu.vector_store %arg14[%parallel_loop3A_165, %parallel_loop3A_166], %parallel_loop3A_169 {strides = array<i32>} : memref<16x1024xf32, #tpu.memory_space<vmem>>, vector<1x16xf32>,
        %parallel_loop3A_170 = arith.constant 48 : i32
        %parallel_loop3A_171 = arith.addi %parallel_loop3A_121, %parallel_loop3A_170 : i32
        %parallel_loop3A_172 = arith.index_cast %parallel_loop3A_115 : i32 to index
        %parallel_loop3A_173 = arith.index_cast %parallel_loop3A_171 : i32 to index
        %parallel_loop3A_174 = tpu.vector_load %arg10[%parallel_loop3A_172, %parallel_loop3A_173] {strides = array<i32>} : memref<16x1024xf32, #tpu.memory_space<vmem>>, vector<1x16xf32>,
        %parallel_loop3A_175 = vector.shape_cast %parallel_loop3A_174 : vector<1x16xf32> to vector<16xf32>
        %parallel_loop3A_176 = arith.index_cast %parallel_loop3A_115 : i32 to index
        %parallel_loop3A_177 = arith.index_cast %parallel_loop3A_171 : i32 to index
        %parallel_loop3A_178 = tpu.vector_load %arg12[%parallel_loop3A_176, %parallel_loop3A_177] {strides = array<i32>} : memref<16x1024xf32, #tpu.memory_space<vmem>>, vector<1x16xf32>,
        %parallel_loop3A_179 = vector.shape_cast %parallel_loop3A_178 : vector<1x16xf32> to vector<16xf32>
        %parallel_loop3A_180 = arith.addf %parallel_loop3A_175, %parallel_loop3A_179 : vector<16xf32>
        %parallel_loop3A_181 = arith.index_cast %parallel_loop3A_115 : i32 to index
        %parallel_loop3A_182 = arith.index_cast %parallel_loop3A_171 : i32 to index
        %parallel_loop3A_183 = tpu.vector_load %arg14[%parallel_loop3A_181, %parallel_loop3A_182] {strides = array<i32>} : memref<16x1024xf32, #tpu.memory_space<vmem>>, vector<1x16xf32>,
        %parallel_loop3A_184 = vector.shape_cast %parallel_loop3A_183 : vector<1x16xf32> to vector<16xf32>
        %parallel_loop3A_185 = vector.shape_cast %parallel_loop3A_180 : vector<16xf32> to vector<1x16xf32>
        tpu.vector_store %arg14[%parallel_loop3A_181, %parallel_loop3A_182], %parallel_loop3A_185 {strides = array<i32>} : memref<16x1024xf32, #tpu.memory_space<vmem>>, vector<1x16xf32>,
        %parallel_loop3A_186 = arith.constant 64 : i32
        %parallel_loop3A_187 = arith.addi %parallel_loop3A_121, %parallel_loop3A_186 : i32
        %parallel_loop3A_188 = arith.index_cast %parallel_loop3A_115 : i32 to index
        %parallel_loop3A_189 = arith.index_cast %parallel_loop3A_187 : i32 to index
        %parallel_loop3A_190 = tpu.vector_load %arg10[%parallel_loop3A_188, %parallel_loop3A_189] {strides = array<i32>} : memref<16x1024xf32, #tpu.memory_space<vmem>>, vector<1x16xf32>,
        %parallel_loop3A_191 = vector.shape_cast %parallel_loop3A_190 : vector<1x16xf32> to vector<16xf32>
        %parallel_loop3A_192 = arith.index_cast %parallel_loop3A_115 : i32 to index
        %parallel_loop3A_193 = arith.index_cast %parallel_loop3A_187 : i32 to index
        %parallel_loop3A_194 = tpu.vector_load %arg12[%parallel_loop3A_192, %parallel_loop3A_193] {strides = array<i32>} : memref<16x1024xf32, #tpu.memory_space<vmem>>, vector<1x16xf32>,
        %parallel_loop3A_195 = vector.shape_cast %parallel_loop3A_194 : vector<1x16xf32> to vector<16xf32>
        %parallel_loop3A_196 = arith.addf %parallel_loop3A_191, %parallel_loop3A_195 : vector<16xf32>
        %parallel_loop3A_197 = arith.index_cast %parallel_loop3A_115 : i32 to index
        %parallel_loop3A_198 = arith.index_cast %parallel_loop3A_187 : i32 to index
        %parallel_loop3A_199 = tpu.vector_load %arg14[%parallel_loop3A_197, %parallel_loop3A_198] {strides = array<i32>} : memref<16x1024xf32, #tpu.memory_space<vmem>>, vector<1x16xf32>,
        %parallel_loop3A_200 = vector.shape_cast %parallel_loop3A_199 : vector<1x16xf32> to vector<16xf32>
        %parallel_loop3A_201 = vector.shape_cast %parallel_loop3A_196 : vector<16xf32> to vector<1x16xf32>
        tpu.vector_store %arg14[%parallel_loop3A_197, %parallel_loop3A_198], %parallel_loop3A_201 {strides = array<i32>} : memref<16x1024xf32, #tpu.memory_space<vmem>>, vector<1x16xf32>,
        %parallel_loop3A_202 = arith.constant 80 : i32
        %parallel_loop3A_203 = arith.addi %parallel_loop3A_121, %parallel_loop3A_202 : i32
        %parallel_loop3A_204 = arith.index_cast %parallel_loop3A_115 : i32 to index
        %parallel_loop3A_205 = arith.index_cast %parallel_loop3A_203 : i32 to index
        %parallel_loop3A_206 = tpu.vector_load %arg10[%parallel_loop3A_204, %parallel_loop3A_205] {strides = array<i32>} : memref<16x1024xf32, #tpu.memory_space<vmem>>, vector<1x16xf32>,
        %parallel_loop3A_207 = vector.shape_cast %parallel_loop3A_206 : vector<1x16xf32> to vector<16xf32>
        %parallel_loop3A_208 = arith.index_cast %parallel_loop3A_115 : i32 to index
        %parallel_loop3A_209 = arith.index_cast %parallel_loop3A_203 : i32 to index
        %parallel_loop3A_210 = tpu.vector_load %arg12[%parallel_loop3A_208, %parallel_loop3A_209] {strides = array<i32>} : memref<16x1024xf32, #tpu.memory_space<vmem>>, vector<1x16xf32>,
        %parallel_loop3A_211 = vector.shape_cast %parallel_loop3A_210 : vector<1x16xf32> to vector<16xf32>
        %parallel_loop3A_212 = arith.addf %parallel_loop3A_207, %parallel_loop3A_211 : vector<16xf32>
        %parallel_loop3A_213 = arith.index_cast %parallel_loop3A_115 : i32 to index
        %parallel_loop3A_214 = arith.index_cast %parallel_loop3A_203 : i32 to index
        %parallel_loop3A_215 = tpu.vector_load %arg14[%parallel_loop3A_213, %parallel_loop3A_214] {strides = array<i32>} : memref<16x1024xf32, #tpu.memory_space<vmem>>, vector<1x16xf32>,
        %parallel_loop3A_216 = vector.shape_cast %parallel_loop3A_215 : vector<1x16xf32> to vector<16xf32>
        %parallel_loop3A_217 = vector.shape_cast %parallel_loop3A_212 : vector<16xf32> to vector<1x16xf32>
        tpu.vector_store %arg14[%parallel_loop3A_213, %parallel_loop3A_214], %parallel_loop3A_217 {strides = array<i32>} : memref<16x1024xf32, #tpu.memory_space<vmem>>, vector<1x16xf32>,
        %parallel_loop3A_218 = arith.constant 96 : i32
        %parallel_loop3A_219 = arith.addi %parallel_loop3A_121, %parallel_loop3A_218 : i32
        %parallel_loop3A_220 = arith.index_cast %parallel_loop3A_115 : i32 to index
        %parallel_loop3A_221 = arith.index_cast %parallel_loop3A_219 : i32 to index
        %parallel_loop3A_222 = tpu.vector_load %arg10[%parallel_loop3A_220, %parallel_loop3A_221] {strides = array<i32>} : memref<16x1024xf32, #tpu.memory_space<vmem>>, vector<1x16xf32>,
        %parallel_loop3A_223 = vector.shape_cast %parallel_loop3A_222 : vector<1x16xf32> to vector<16xf32>
        %parallel_loop3A_224 = arith.index_cast %parallel_loop3A_115 : i32 to index
        %parallel_loop3A_225 = arith.index_cast %parallel_loop3A_219 : i32 to index
        %parallel_loop3A_226 = tpu.vector_load %arg12[%parallel_loop3A_224, %parallel_loop3A_225] {strides = array<i32>} : memref<16x1024xf32, #tpu.memory_space<vmem>>, vector<1x16xf32>,
        %parallel_loop3A_227 = vector.shape_cast %parallel_loop3A_226 : vector<1x16xf32> to vector<16xf32>
        %parallel_loop3A_228 = arith.addf %parallel_loop3A_223, %parallel_loop3A_227 : vector<16xf32>
        %parallel_loop3A_229 = arith.index_cast %parallel_loop3A_115 : i32 to index
        %parallel_loop3A_230 = arith.index_cast %parallel_loop3A_219 : i32 to index
        %parallel_loop3A_231 = tpu.vector_load %arg14[%parallel_loop3A_229, %parallel_loop3A_230] {strides = array<i32>} : memref<16x1024xf32, #tpu.memory_space<vmem>>, vector<1x16xf32>,
        %parallel_loop3A_232 = vector.shape_cast %parallel_loop3A_231 : vector<1x16xf32> to vector<16xf32>
        %parallel_loop3A_233 = vector.shape_cast %parallel_loop3A_228 : vector<16xf32> to vector<1x16xf32>
        tpu.vector_store %arg14[%parallel_loop3A_229, %parallel_loop3A_230], %parallel_loop3A_233 {strides = array<i32>} : memref<16x1024xf32, #tpu.memory_space<vmem>>, vector<1x16xf32>,
        %parallel_loop3A_234 = arith.constant 112 : i32
        %parallel_loop3A_235 = arith.addi %parallel_loop3A_121, %parallel_loop3A_234 : i32
        %parallel_loop3A_236 = arith.index_cast %parallel_loop3A_115 : i32 to index
        %parallel_loop3A_237 = arith.index_cast %parallel_loop3A_235 : i32 to index
        %parallel_loop3A_238 = tpu.vector_load %arg10[%parallel_loop3A_236, %parallel_loop3A_237] {strides = array<i32>} : memref<16x1024xf32, #tpu.memory_space<vmem>>, vector<1x16xf32>,
        %parallel_loop3A_239 = vector.shape_cast %parallel_loop3A_238 : vector<1x16xf32> to vector<16xf32>
        %parallel_loop3A_240 = arith.index_cast %parallel_loop3A_115 : i32 to index
        %parallel_loop3A_241 = arith.index_cast %parallel_loop3A_235 : i32 to index
        %parallel_loop3A_242 = tpu.vector_load %arg12[%parallel_loop3A_240, %parallel_loop3A_241] {strides = array<i32>} : memref<16x1024xf32, #tpu.memory_space<vmem>>, vector<1x16xf32>,
        %parallel_loop3A_243 = vector.shape_cast %parallel_loop3A_242 : vector<1x16xf32> to vector<16xf32>
        %parallel_loop3A_244 = arith.addf %parallel_loop3A_239, %parallel_loop3A_243 : vector<16xf32>
        %parallel_loop3A_245 = arith.index_cast %parallel_loop3A_115 : i32 to index
        %parallel_loop3A_246 = arith.index_cast %parallel_loop3A_235 : i32 to index
        %parallel_loop3A_247 = tpu.vector_load %arg14[%parallel_loop3A_245, %parallel_loop3A_246] {strides = array<i32>} : memref<16x1024xf32, #tpu.memory_space<vmem>>, vector<1x16xf32>,
        %parallel_loop3A_248 = vector.shape_cast %parallel_loop3A_247 : vector<1x16xf32> to vector<16xf32>
        %parallel_loop3A_249 = vector.shape_cast %parallel_loop3A_244 : vector<16xf32> to vector<1x16xf32>
        tpu.vector_store %arg14[%parallel_loop3A_245, %parallel_loop3A_246], %parallel_loop3A_249 {strides = array<i32>} : memref<16x1024xf32, #tpu.memory_space<vmem>>, vector<1x16xf32>,
      } {sc.loop_unroll_factor = 1 : i64, sc.parallel_access}
      %add3A_99 = arith.constant 2 : i32
      %add3A_100 = arith.addi %add3A_78, %add3A_99 : i32
      %lt3A_101 = arith.constant 16 : i32
      %lt3A_102 = arith.cmpi slt, %add3A_100, %lt3A_101 : i32
      %convert_element_type3A_103 = arith.extui %lt3A_102 : i1 to i32
      %cond3A_104 = arith.constant 0 : i32
      %cond3A_105 = arith.cmpi ne, %convert_element_type3A_103, %cond3A_104 : i32
      scf.if %cond3A_105 {
        %add3A_113 = arith.constant 2 : i32
        %add3A_114 = arith.addi %add3A_78, %add3A_113 : i32
        %mul3A_115 = arith.constant 16 : i32
        %mul3A_116 = arith.muli %add3A_114, %mul3A_115 : i32
        %dma_start3A_117 = tpu.memref_slice %arg7[%mul3A_116] : memref<256xi32, #tpu.memory_space<vmem>> -> memref<16xi32, #tpu.memory_space<vmem>>
        %dma_start3A_118 = arith.constant 0 : i32
        %dma_start3A_119 = arith.constant 0 : i32
        %dma_start3A_120 = tpu.memref_slice %arg4[%dma_start3A_118, %dma_start3A_119] : memref<100000x1024xf32, #tpu.memory_space<hbm>> -> memref<100000x1024xf32, #tpu.memory_space<hbm>>
        tpu.enqueue_indirect_dma source(%dma_start3A_120 : memref<100000x1024xf32, #tpu.memory_space<hbm>>) target(%arg10 : memref<16x1024xf32, #tpu.memory_space<vmem>>) offsets(%dma_start3A_117 : memref<16xi32, #tpu.memory_space<vmem>>) semaphore(%arg16 : memref<!tpu.dma_semaphore, #tpu.memory_space<semaphore_mem>>)
        %mul3A_121 = arith.constant 16 : i32
        %mul3A_122 = arith.muli %add3A_114, %mul3A_121 : i32
        %dma_start3A_123 = tpu.memref_slice %arg8[%mul3A_122] : memref<256xi32, #tpu.memory_space<vmem>> -> memref<16xi32, #tpu.memory_space<vmem>>
        %dma_start3A_124 = arith.constant 0 : i32
        %dma_start3A_125 = arith.constant 0 : i32
        %dma_start3A_126 = tpu.memref_slice %arg5[%dma_start3A_124, %dma_start3A_125] : memref<2048x1024xf32, #tpu.memory_space<hbm>> -> memref<2048x1024xf32, #tpu.memory_space<hbm>>
        tpu.enqueue_indirect_dma source(%dma_start3A_126 : memref<2048x1024xf32, #tpu.memory_space<hbm>>) target(%arg12 : memref<16x1024xf32, #tpu.memory_space<vmem>>) offsets(%dma_start3A_123 : memref<16xi32, #tpu.memory_space<vmem>>) semaphore(%arg16 : memref<!tpu.dma_semaphore, #tpu.memory_space<semaphore_mem>>)
      } else {
      }
      %mul3A_106 = arith.constant 16 : i32
      %mul3A_107 = arith.muli %add3A_78, %mul3A_106 : i32
      %add3A_108 = arith.addi %mul3A_2, %mul3A_107 : i32
      %dma_start3A_109 = arith.constant 0 : i32
      %dma_start3A_110 = tpu.memref_slice %arg6[%add3A_108, %dma_start3A_109] : memref<8192x1024xf32, #tpu.memory_space<hbm>> -> memref<16x1024xf32, #tpu.memory_space<hbm>>
      %dma_start3A_111 = arith.constant 0 : i32
      %dma_start3A_112 = tpu.memref_slice %arg6[%add3A_108, %dma_start3A_111] : memref<8192x1024xf32, #tpu.memory_space<hbm>> -> memref<16x1024xf32, #tpu.memory_space<hbm>>
      tpu.enqueue_dma source(%arg14 : memref<16x1024xf32, #tpu.memory_space<vmem>>) target(%dma_start3A_112 : memref<16x1024xf32, #tpu.memory_space<hbm>>) target_semaphore(%arg18 : memref<!tpu.dma_semaphore, #tpu.memory_space<semaphore_mem>>)
    }
    %scan3A_29 = arith.constant 8 : i32
    %dma_wait3A = arith.constant 0 : i32
    %dma_wait3A_30 = arith.constant 0 : i32
    %dma_wait3A_31 = tpu.memref_slice %arg6[%dma_wait3A, %dma_wait3A_30] : memref<8192x1024xf32, #tpu.memory_space<hbm>> -> memref<16x1024xf32, #tpu.memory_space<hbm>>
    %dma_wait3A_32 = arith.constant 0 : i32
    %dma_wait3A_33 = arith.constant 0 : i32
    %dma_wait3A_34 = tpu.memref_slice %arg6[%dma_wait3A_32, %dma_wait3A_33] : memref<8192x1024xf32, #tpu.memory_space<hbm>> -> memref<16x1024xf32, #tpu.memory_space<hbm>>
    tpu.wait_dma2 semaphore(%arg17 : memref<!tpu.dma_semaphore, #tpu.memory_space<semaphore_mem>>) src(%arg13 : memref<16x1024xf32, #tpu.memory_space<vmem>>) dst(%dma_wait3A_34 : memref<16x1024xf32, #tpu.memory_space<hbm>>)
    %dma_wait3A_35 = arith.constant 0 : i32
    %dma_wait3A_36 = arith.constant 0 : i32
    %dma_wait3A_37 = tpu.memref_slice %arg6[%dma_wait3A_35, %dma_wait3A_36] : memref<8192x1024xf32, #tpu.memory_space<hbm>> -> memref<16x1024xf32, #tpu.memory_space<hbm>>
    %dma_wait3A_38 = arith.constant 0 : i32
    %dma_wait3A_39 = arith.constant 0 : i32
    %dma_wait3A_40 = tpu.memref_slice %arg6[%dma_wait3A_38, %dma_wait3A_39] : memref<8192x1024xf32, #tpu.memory_space<hbm>> -> memref<16x1024xf32, #tpu.memory_space<hbm>>
    tpu.wait_dma2 semaphore(%arg18 : memref<!tpu.dma_semaphore, #tpu.memory_space<semaphore_mem>>) src(%arg14 : memref<16x1024xf32, #tpu.memory_space<vmem>>) dst(%dma_wait3A_40 : memref<16x1024xf32, #tpu.memory_space<hbm>>)
    return
  }
}

</mosaic_0001>

<sc_bundles>
// kernel: _embed_add.3.cloned.1.call-start
scs
__scs_entry_jumppad:
0x0: {  	(pc) =	sbr.rel $0x88, $3  }
0x1: {  	(tag) =	ssettag $0x0;
	lr =	simm.s32 $0x1  }
0x2: {  	[smem:$0x3F9D] =	sst lr;
	_ =	strace $0xD0000000  }
0x3: {  	_ = 	snop  }
0x4: {  	_ = 	snop  }
0x5: {  	_ = 	snop  }
0x6: {  	_ = 	snop  }
0x7: {  	_ = 	snop  }
__scs_overlays_trampoline_lowered:
0x8: {  	[smem:$0x3FAC] =	sst s0  }
0x9: {  	[smem:$0x3FAD] =	sst s1  }
0xa: {  	[smem:$0x3FAE] =	sst s2  }
0xb: {  	[smem:$0x3FAF] =	sst s3  }
0xc: {  	[smem:$0x3FB0] =	sst s4  }
0xd: {  	[smem:$0x3FB1] =	sst s5  }
0xe: {  	[smem:$0x3FB2] =	sst s6  }
0xf: {  	[smem:$0x3FB3] =	sst s7  }
0x10: {  	[smem:$0x3FB4] =	sst s8  }
0x11: {  	[smem:$0x3FB5] =	sst s9;
	s0 =	simm.s32 @!p0 $0x0  }
0x12: {  	s1 =	sld [smem:$0x3F9B];
	s0 =	simm.s32 @p0 $0x1  }
0x13: {  	[smem:$0x3FB6] =	sst s0;
	s0 =	simm.s32 @!p1 $0x0  }
0x14: {  	s2 =	sld [smem:$0x3F9A];
	s0 =	simm.s32 @p1 $0x1  }
0x15: {  	[smem:$0x3FB7] =	sst s0;
	s0 =	simm.s32 @!p2 $0x0  }
0x16: {  	s3 =	sld [smem:$0x3FDB];
	s0 =	simm.s32 @p2 $0x1  }
0x17: {  	s4 =	simm.s32 $0x1BF5;
	[smem:$0x3FB9] =	sst s0  }
0x18: {  	s0 =	sld [smem:$0x3F9C];
	_ =	swait.ge [sflag:s4], $0x0  }
0x19: {  	s7 =	sld [smem:$0x3F9D]  }
0x1a: {  	s8 =	sadd.s32 $0xFFFFE003, lr  }
0x1b: {  	s9 =	sadd.s32 $0xFFFFFEF7, lr;
	s5 =	simm.s32 $0xFFFFFFFF;
	p2 =	slt.u32 s8, $0xFFFFF086  }
0x1c: {  	p1 =	slt.u32 s9, $0xF7A;
	s5 =	simm.s32 @!p2 $0x0  }
0x1d: {  	s5 =	simm.s32 @p1 $0x1;
	p0 =	seq.s32 s7, s2  }
0x1e: {  	s7 =	smul.u32 @!p0 $0xF7A, s2;
	p2 =	seq.s32 @!p0 s5, $0x0  }
0x1f: {  	s9 =	smul.u32 $0xF7A, s1;
	s8 =	simm.s32 @!p0 $0x1BF5;
	p2 =	por !p2, p0  }
0x20: {  	[sflag:s8] =	ssyncset.s32 @!p0 $0xFFFFF086;
	s6 =	sadd.s32 @!p0 s3, s7;
	s7 =	simm.s32 @!p0 $0x108  }
0x21: {  	s3 =	sadd.s32 s3, s9;
	s6 =	sadd.s32 @!p0 $0x88, s6;
	s7 =	simm.s32 @p2 $0x1082  }
0x22: {  	[simem:s7], [sflag:s8] =	dma.local @!p0 [hbm:s6], $0xF7A  }
0x23: {  	s9 =	sor.u32 $0xD0000000, s2;
	s6 =	simm.s32 $0x108;
	_ =	swait.ge @!p0 [sflag:s8], $0x0  }
0x24: {  	s3 =	sadd.s32 $0x88, s3;
	s6 =	simm.s32 @!p1 $0x1082;
	[sflag:s4] =	ssyncset.s32 $0xFFFFF086  }
0x25: {  	[simem:s6], [sflag:s4] =	dma.local [hbm:s3], $0xF7A  }
0x26: {  	[smem:$0x3F9D] =	sst s1;
	(tag) =	ssettag s2;
	_ =	strace s9  }
0x27: {  	s1 =	sld [smem:$0x3FAD]  }
0x28: {  	s2 =	sld [smem:$0x3FAE]  }
0x29: {  	s4 =	sld [smem:$0x3FB0]  }
0x2a: {  	p0 =	seq.s32 s5, $0x0;
	s5 =	sld [smem:$0x3FB1]  }
0x2b: {  	s6 =	sld [smem:$0x3FB2]  }
0x2c: {  	s7 =	sld [smem:$0x3FB3]  }
0x2d: {  	s3 =	simm.s32 $0x108;
	s8 =	sld [smem:$0x3FB4]  }
0x2e: {  	s3 =	simm.s32 @!p0 $0x1082;
	s9 =	sld [smem:$0x3FB5]  }
0x2f: {  	lr =	sadd.s32 s0, s3;
	s0 =	sld [smem:$0x3FAC]  }
0x30: {  	s3 =	sld [smem:$0x3FAF]  }
0x31: {  	[smem:$0x3FB8] =	sst s10  }
0x32: {  	s10 =	sld [smem:$0x3FB6];
	_ =	sdelay $0x3  }
0x33: {  	p0 =	seq.s32 s10, $0x1;
	s10 =	sld [smem:$0x3FB8];
	_ =	sdelay $0x3  }
0x34: {  	[smem:$0x3FB8] =	sst s10  }
0x35: {  	s10 =	sld [smem:$0x3FB7];
	_ =	sdelay $0x3  }
0x36: {  	p1 =	seq.s32 s10, $0x1;
	s10 =	sld [smem:$0x3FB8];
	_ =	sdelay $0x3  }
0x37: {  	[smem:$0x3FB8] =	sst s10  }
0x38: {  	s10 =	sld [smem:$0x3FB9]  }
0x39: {  	_ = 	snop;
	(pc) =	sbr.ind lr, $3  }
0x3a: {  	_ = 	snop  }
0x3b: {  	_ = 	snop  }
0x3c: {  	p2 =	seq.s32 s10, $0x1;
	s10 =	sld [smem:$0x3FB8]  }
0x3d: {  	_ =	shalt  }
0x3e: {  	_ =	shalt  }
0x3f: {  	_ =	shalt  }
0x40: {  	_ =	shalt  }
0x41: {  	_ =	shalt  }
0x42: {  	_ =	shalt  }
0x43: {  	_ =	shalt  }
0x44: {  	_ =	shalt  }
0x45: {  	_ =	shalt  }
0x46: {  	_ =	shalt  }
0x47: {  	_ =	shalt  }
0x48: {  	_ =	shalt  }
0x49: {  	_ =	shalt  }
0x4a: {  	_ =	shalt  }
0x4b: {  	_ =	shalt  }
0x4c: {  	_ =	shalt  }
0x4d: {  	_ =	shalt  }
0x4e: {  	_ =	shalt  }
0x4f: {  	_ =	shalt  }
0x50: {  	_ =	shalt  }
0x51: {  	_ =	shalt  }
0x52: {  	_ =	shalt  }
0x53: {  	_ =	shalt  }
0x54: {  	_ =	shalt  }
0x55: {  	_ =	shalt  }
0x56: {  	_ =	shalt  }
0x57: {  	_ =	shalt  }
0x58: {  	_ =	shalt  }
0x59: {  	_ =	shalt  }
0x5a: {  	_ =	shalt  }
0x5b: {  	_ =	shalt  }
0x5c: {  	_ =	shalt  }
0x5d: {  	_ =	shalt  }
0x5e: {  	_ =	shalt  }
0x5f: {  	_ =	shalt  }
0x60: {  	_ =	shalt  }
0x61: {  	_ =	shalt  }
0x62: {  	_ =	shalt  }
0x63: {  	_ =	shalt  }
0x64: {  	_ =	shalt  }
0x65: {  	_ =	shalt  }
0x66: {  	_ =	shalt  }
0x67: {  	_ =	shalt  }
0x68: {  	_ =	shalt  }
0x69: {  	_ =	shalt  }
0x6a: {  	_ =	shalt  }
0x6b: {  	_ =	shalt  }
0x6c: {  	_ =	shalt  }
0x6d: {  	_ =	shalt  }
0x6e: {  	_ =	shalt  }
0x6f: {  	_ =	shalt  }
0x70: {  	_ =	shalt  }
0x71: {  	_ =	shalt  }
0x72: {  	_ =	shalt  }
0x73: {  	_ =	shalt  }
0x74: {  	_ =	shalt  }
0x75: {  	_ =	shalt  }
0x76: {  	_ =	shalt  }
0x77: {  	_ =	shalt  }
0x78: {  	_ =	shalt  }
0x79: {  	_ =	shalt  }
0x7a: {  	_ =	shalt  }
0x7b: {  	_ =	shalt  }
0x7c: {  	_ =	shalt  }
0x7d: {  	_ =	shalt  }
0x7e: {  	_ =	shalt  }
0x7f: {  	_ =	shalt  }
0x80: {  	_ =	shalt  }
0x81: {  	_ =	shalt  }
0x82: {  	_ =	shalt  }
0x83: {  	_ =	shalt  }
0x84: {  	_ =	shalt  }
0x85: {  	_ =	shalt  }
0x86: {  	_ =	shalt  }
0x87: {  	_ =	shalt  }
.Lfunc_end0:
.L_simem_size_0:
called_computation_lowered:
.L_overlay_start_0:
0x88: {  	s2 =	sld [smem:$0x3FD9]  }
0x89: {  	s3 =	sld [smem:$0x3FFE];
	_ =	sdelay $0x1  }
0x8a: {  	s1 =	srdreg.scid  }
0x8b: {  	s0 =	sand.u32 $0x1, s1  }
0x8c: {  	s18 =	sshll.u32 s0, $0xA;
	s2 =	sadd.s32 s3, s2  }
0x8d: {  	s2 =	sadd.s32 s2, s18  }
0x8e: {  	[smem:$0x3FC4] =	sst s2  }
0x8f: {  	_ = 	snop  }
0x90: {  	s2 =	sld [smem:$0x3FC9]  }
0x91: {  	s19 =	sld [smem:$0x3FC8]  }
0x92: {  	s4 =	sld [smem:$0x3FC7]  }
0x93: {  	s5 =	sld [smem:$0x3FC6]  }
0x94: {  	s6 =	sld [smem:$0x3FD0];
	(tm) =	ssettm $0x1  }
0x95: {  	s7 =	sld [smem:$0x3FFB];
	_ =	sdelay $0x3  }
0x96: {  	_ =	strace s7  }
0x97: {  	s7 =	sld [smem:$0x3FFC];
	_ =	sdelay $0x3  }
0x98: {  	_ =	strace s7  }
0x99: {  	s7 =	sld [smem:$0x3FFD];
	_ =	sdelay $0x3  }
0x9a: {  	_ =	strace s7  }
0x9b: {  	_ =	strace $0x8FFFFFFF  }
0x9c: {  	s20 =	sld [smem:$0x3FDB];
	_ =	sdelay $0x1  }
0x9d: {  	s8 =	simm.s32 $_scs_section_size  }
0x9e: {  	s9 =	simm.s32 $_size__tile_overlayer_lowered;
	s10 =	simm.s32 $_tile_overlayer_lowered  }
0x9f: {  	s23 =	simm.s32 $0x1BFF;
	s22 =	sshll.u32 s10, $0x1;
	s7 =	sadd.s32 s8, s20  }
0xa0: {  	s11 =	simm.s32 $0x0;
	s21 =	sshll.u32 s9, $0x1;
	s9 =	sadd.s32 s22, s7  }
0xa1: {  	[timem:s11], [sflag:s23] =	dma.local [hbm:s9], s21  }
0xa2: {  	_ =	swait.ge [sflag:s23], s21  }
0xa3: {  	s8 =	ssub.s32 $0x0, s21;
	[sflag:s23] =	ssyncset.done $0x0  }
0xa4: {  	[sflag:s23] =	ssyncadd.s32 s8;
	_ =	sdelay $0x1  }
0xa5: {  	s24 =	simm.s32 $0x1B8B  }
0xa6: {  	_ =	swait.ge [sflag:s24], $0x1  }
0xa7: {  	[sflag:s24] =	ssyncset.done $0x0  }
0xa8: {  	s25 =	simm.s32 $0x1B8E;
	[sflag:s24] =	ssyncadd.s32 $0xFFFFFFFF  }
0xa9: {  	s26 =	simm.s32 $execute0_lowered;
	[smem:$0x3FD2] =	sst s25  }
0xaa: {  	s8 =	sshll.u32 s26, $0x1;
	_ =	strace $0x80000046;
	[dreg:$0x1] =	wrdreg $0xFFFFFFFF  }
0xab: {  	s28 =	simm.s32 $_size_execute0_lowered;
	s7 =	sadd.s32 s7, s8;
	[dreg:$0x0] =	wrdreg $0x0  }
0xac: {  	s8 =	sshll.u32 s28, $0x1;
	[dreg:$0x2] =	wrdreg s7  }
0xad: {  	[dreg:$0x3] =	wrdreg s8  }
0xae: {  	[dreg:$0x4] =	wrdreg $0xC0  }
0xaf: {  	_ =	task [dreg:s11], $0x5FFFF  }
0xb0: {  	[dreg:$0x1] =	wrdreg $0xFFFFFFFF  }
0xb1: {  	[dreg:$0x0] =	wrdreg $0x60  }
0xb2: {  	[dreg:$0x2] =	wrdreg s2  }
0xb3: {  	[dreg:$0x3] =	wrdreg s19  }
0xb4: {  	[dreg:$0x4] =	wrdreg s4  }
0xb5: {  	[dreg:$0x5] =	wrdreg s5  }
0xb6: {  	[dreg:$0x6] =	wrdreg s6  }
0xb7: {  	[dreg:$0x7] =	wrdreg $0x9  }
0xb8: {  	_ =	task.clear_ibuf [dreg:s11], $0x8FFFF;
	_ =	strace $0x90000046  }
0xb9: {  	s29 =	simm.s32 $0x9;
	_ =	strace $0x80000048  }
0xba: {  	_ =	swait.ge [sflag:s29], $0x1  }
0xbb: {  	[sflag:s29] =	ssyncadd.s32 $0xFFFFFFFF  }
0xbc: {  	_ =	strace $0x90000048  }
0xbd: {  	_ =	sfence  }
0xbe: {  	s30 =	sld [smem:$0x0];
	_ =	sdelay $0x2  }
0xbf: {  	s31 =	sshll.u32 s1, $0xD;
	s1 =	sshrl.u32 s1, $0x2  }
0xc0: {  	s3 =	sand.u32 $0x4000, s31;
	s1 =	sadd.s32 s1, s30  }
0xc1: {  	s0 =	sor.u32 s3, s0;
	s1 =	sshll.u32 s1, $0x11  }
0xc2: {  	s0 =	sor.u32 s1, s0  }
0xc3: {  	s0 =	sadd.s32 $0x8F2B, s0  }
0xc4: {  	[sflag:s0] =	ssyncadd.remote.s32 $0x1  }
0xc5: {  	_ =	sfence.sel $0xFFFF  }
0xc6: {  	[dreg:$0x0] =	wrdreg $0xFFFFFFFF;
	(pc) =	sbr.abs _section_cstart, $3  }
0xc7: {  	[dreg:$0x1] =	wrdreg $0xFFFFFFFF  }
0xc8: {  	_ =	task.clear_ibuf [dreg:s11], $0x2FFFF;
	_ =	strace $0x9FFFFFFF  }
0xc9: {  	(tm) =	ssettm $0x7FFFFFFF  }
tec
execute0_lowered:
.L_overlay_start_1:
0x0: {  	(tag) =	ssettag $0x1  }
0x1: {  	s0 =	rddreg [dreg:$0x0]  }
0x2: {  	s3 =	rddreg [dreg:$0x1]  }
0x3: {  	s1 =	rddreg [dreg:$0x2]  }
0x4: {  	s2 =	rddreg [dreg:$0x3]  }
0x5: {  	s4 =	rddreg [dreg:$0x4];
	s6 =	srdreg.scid  }
0x6: {  	s5 =	simm.s32 $0x0;
	s8 =	stileid.u32;
	s19 =	simm.s32 $0x5  }
0x7: {  	s30 =	simm.s32 $0x1;
	s31 =	simm.s32 $0x10200;
	s20 =	simm.s32 $0x3  }
0x8: {  	s21 =	simm.s32 $0x4;
	s22 =	simm.s32 $0x0;
	s6 =	sand.u32 $0x1, s6  }
0x9: {  	s8 =	sshll.u32 s8, $0x9;
	[smem:$0x7FF] =	sst s5;
	s10 =	sadd.s32 $0x200, s1  }
0xa: {  	s11 =	sadd.s32 $0x300, s1;
	s12 =	sadd.s32 $0x100, s2;
	s13 =	sadd.s32 $0x200, s2  }
0xb: {  	s14 =	sadd.s32 $0x300, s2;
	s7 =	ssub.s32 $0x2, s6;
	s6 =	sshll.u32 s6, $0x8  }
0xc: {  	_ =	strace $0x80000047;
	s9 =	sshrl.u32 s7, $0x1;
	s6 =	sor.u32 s6, s8  }
0xd: {  	s7 =	ssub.s32 s7, s9;
	s8 =	sshrl.u32 s6, $0x3;
	s9 =	sadd.s32 $0x100, s1  }
0xe: {  	s29 =	sshll.u32 s6, $0x7;
	s26 =	sadd.s32 s0, s8;
	s28 =	sadd.s32 s3, s8  }
0xf: {  	v2 =	vlaneseq.u32;
	s8 =	sor.u32 $0x4, s8;
	s17 =	sadd.s32 s4, s29;
	[dreg:$0x6] =	wrdreg s26  }
0x10: {  	vm0 =	vmmov $0xffff;
	v1 =	vshrl.u32 v2, $0x3;
	s18 =	smax.u32 s7, $0x1;
	[dreg:$0x7] =	wrdreg s28;
	s15 =	sadd.s32 s0, s8  }
0x11: {  	v0 =	vand.u32 $0x7, v2;
	v2 =	vor.u32 $0x8, v2;
	v1 =	vmul.u32 $0x8, v1;
	s16 =	sadd.s32 s3, s8;
	s0 =	simm.s32 $0x2;
	s3 =	simm.s32 $0x14200  }
.LBB2_1:
0x12: {  	s7 =	rddreg [dreg:$0x6]  }
0x13: {  	[tilespmem:s5], [sflag:$0x5] =	stream.linear.gather [hbm4b:s7+s5], $0x20, $0x38;
	[tilespmem:$0x18200] =	vst v63  }
0x14: {  	_ =	swait.ge [sflag:s19], $0x20  }
0x15: {  	[sflag:s19] =	ssyncset.done $0x0  }
0x16: {  	s8 =	simm.s32 $0x100;
	s29 =	rddreg [dreg:$0x7];
	[sflag:s19] =	ssyncadd.s32 $0xFFFFFFE0  }
0x17: {  	[tilespmem:s8], [sflag:$0x5] =	stream.linear.gather [hbm4b:s29+s5], $0x20, $0x38;
	[tilespmem:$0x18200] =	vst v63  }
0x18: {  	_ =	swait.ge [sflag:s19], $0x20  }
0x19: {  	[sflag:s19] =	ssyncset.done $0x0  }
0x1a: {  	[sflag:s19] =	ssyncadd.s32 $0xFFFFFFE0  }
0x1b: {  	v3 =	vld [tilespmem:$0x0];
	_ =	sdelay $0x4  }
0x1c: {  	v4 =	vshll.u32 v3, $0x3  }
0x1d: {  	v3 =	vand.u32 $0x7, v3;
	v4 =	vand.u32 $0xFFFFFFC0, v4  }
0x1e: {  	v3 =	vor.u32 v3, v4  }
0x1f: {  	v4 =	vperm.xlane v3, v0;
	_ =	sdelay $0x1  }
0x20: {  	v4 =	vadd.s32 v1, v4;
	_ =	sdelay $0x3  }
0x21: {  	s23 =	simm.s32 $0x200  }
0x22: {  	[tilespmem:s23], [sflag:$0x1] =	stream.indirect_vreg.gather [hbm4b:s1+s5], $0x80, v4, vm0, $0xb8;
	[tilespmem:$0x18200] =	vst v63  }
0x23: {  	s24 =	simm.s32 $0xA00;
	v3 =	vperm.xlane v3, v2  }
0x24: {  	[tilespmem:s24], [sflag:$0x1] =	stream.indirect_vreg.gather [hbm4b:s9+s5], $0x80, v4, vm0, $0xb8;
	[tilespmem:$0x18200] =	vst v63  }
0x25: {  	s25 =	simm.s32 $0x1200;
	v3 =	vadd.s32 v1, v3  }
0x26: {  	[tilespmem:s25], [sflag:$0x1] =	stream.indirect_vreg.gather [hbm4b:s10+s5], $0x80, v4, vm0, $0xb8;
	[tilespmem:$0x18200] =	vst v63  }
0x27: {  	s26 =	simm.s32 $0x1A00  }
0x28: {  	[tilespmem:s26], [sflag:$0x1] =	stream.indirect_vreg.gather [hbm4b:s11+s5], $0x80, v4, vm0, $0xb8;
	[tilespmem:$0x18200] =	vst v63  }
0x29: {  	s28 =	simm.s32 $0x2200  }
0x2a: {  	[tilespmem:s28], [sflag:$0x1] =	stream.indirect_vreg.gather [hbm4b:s1+s5], $0x80, v3, vm0, $0xb8;
	[tilespmem:$0x18200] =	vst v63  }
0x2b: {  	s29 =	simm.s32 $0x2A00  }
0x2c: {  	[tilespmem:s29], [sflag:$0x1] =	stream.indirect_vreg.gather [hbm4b:s9+s5], $0x80, v3, vm0, $0xb8;
	[tilespmem:$0x18200] =	vst v63  }
0x2d: {  	s8 =	simm.s32 $0x3200  }
0x2e: {  	[tilespmem:s8], [sflag:$0x1] =	stream.indirect_vreg.gather [hbm4b:s10+s5], $0x80, v3, vm0, $0xb8;
	[tilespmem:$0x18200] =	vst v63  }
0x2f: {  	s23 =	simm.s32 $0x3A00  }
0x30: {  	[tilespmem:s23], [sflag:$0x1] =	stream.indirect_vreg.gather [hbm4b:s11+s5], $0x80, v3, vm0, $0xb8;
	[tilespmem:$0x18200] =	vst v63  }
0x31: {  	v3 =	vld [tilespmem:$0x100];
	_ =	sdelay $0x4  }
0x32: {  	v61 =	vshll.u32 v3, $0x3  }
0x33: {  	v3 =	vand.u32 $0x7, v3;
	v4 =	vand.u32 $0xFFFFFFC0, v61  }
0x34: {  	v3 =	vor.u32 v3, v4  }
0x35: {  	v4 =	vperm.xlane v3, v0;
	_ =	sdelay $0x1  }
0x36: {  	v4 =	vadd.s32 v1, v4;
	_ =	sdelay $0x3  }
0x37: {  	s24 =	simm.s32 $0x8200  }
0x38: {  	[tilespmem:s24], [sflag:$0x1] =	stream.indirect_vreg.gather [hbm4b:s2+s5], $0x80, v4, vm0, $0xb8;
	[tilespmem:$0x18200] =	vst v63  }
0x39: {  	s25 =	simm.s32 $0x8A00;
	v3 =	vperm.xlane v3, v2  }
0x3a: {  	[tilespmem:s25], [sflag:$0x1] =	stream.indirect_vreg.gather [hbm4b:s12+s5], $0x80, v4, vm0, $0xb8;
	[tilespmem:$0x18200] =	vst v63  }
0x3b: {  	s26 =	simm.s32 $0x9200;
	v3 =	vadd.s32 v1, v3  }
0x3c: {  	[tilespmem:s26], [sflag:$0x1] =	stream.indirect_vreg.gather [hbm4b:s13+s5], $0x80, v4, vm0, $0xb8;
	[tilespmem:$0x18200] =	vst v63  }
0x3d: {  	s28 =	simm.s32 $0x9A00  }
0x3e: {  	[tilespmem:s28], [sflag:$0x1] =	stream.indirect_vreg.gather [hbm4b:s14+s5], $0x80, v4, vm0, $0xb8;
	[tilespmem:$0x18200] =	vst v63  }
0x3f: {  	s29 =	simm.s32 $0xA200  }
0x40: {  	[tilespmem:s29], [sflag:$0x1] =	stream.indirect_vreg.gather [hbm4b:s2+s5], $0x80, v3, vm0, $0xb8;
	[tilespmem:$0x18200] =	vst v63  }
0x41: {  	s8 =	simm.s32 $0xAA00  }
0x42: {  	[tilespmem:s8], [sflag:$0x1] =	stream.indirect_vreg.gather [hbm4b:s12+s5], $0x80, v3, vm0, $0xb8;
	[tilespmem:$0x18200] =	vst v63  }
0x43: {  	s23 =	simm.s32 $0xB200  }
0x44: {  	[tilespmem:s23], [sflag:$0x1] =	stream.indirect_vreg.gather [hbm4b:s13+s5], $0x80, v3, vm0, $0xb8;
	[tilespmem:$0x18200] =	vst v63  }
0x45: {  	s24 =	simm.s32 $0xBA00  }
0x46: {  	[tilespmem:s24], [sflag:$0x1] =	stream.indirect_vreg.gather [hbm4b:s14+s5], $0x80, v3, vm0, $0xb8;
	[tilespmem:$0x18200] =	vst v63  }
0x47: {  	v3 =	vld [tilespmem:$0x10];
	_ =	sdelay $0x4  }
0x48: {  	v62 =	vshll.u32 v3, $0x3  }
0x49: {  	v3 =	vand.u32 $0x7, v3;
	v4 =	vand.u32 $0xFFFFFFC0, v62  }
0x4a: {  	v3 =	vor.u32 v3, v4  }
0x4b: {  	v4 =	vperm.xlane v3, v0;
	_ =	sdelay $0x1  }
0x4c: {  	v4 =	vadd.s32 v1, v4;
	_ =	sdelay $0x3  }
0x4d: {  	s25 =	simm.s32 $0x4200  }
0x4e: {  	[tilespmem:s25], [sflag:$0x2] =	stream.indirect_vreg.gather [hbm4b:s1+s5], $0x80, v4, vm0, $0xb8;
	[tilespmem:$0x18200] =	vst v63  }
0x4f: {  	s26 =	simm.s32 $0x4A00;
	v3 =	vperm.xlane v3, v2  }
0x50: {  	[tilespmem:s26], [sflag:$0x2] =	stream.indirect_vreg.gather [hbm4b:s9+s5], $0x80, v4, vm0, $0xb8;
	[tilespmem:$0x18200] =	vst v63  }
0x51: {  	s28 =	simm.s32 $0x5200;
	v3 =	vadd.s32 v1, v3  }
0x52: {  	[tilespmem:s28], [sflag:$0x2] =	stream.indirect_vreg.gather [hbm4b:s10+s5], $0x80, v4, vm0, $0xb8;
	[tilespmem:$0x18200] =	vst v63  }
0x53: {  	s29 =	simm.s32 $0x5A00  }
0x54: {  	[tilespmem:s29], [sflag:$0x2] =	stream.indirect_vreg.gather [hbm4b:s11+s5], $0x80, v4, vm0, $0xb8;
	[tilespmem:$0x18200] =	vst v63  }
0x55: {  	s8 =	simm.s32 $0x6200  }
0x56: {  	[tilespmem:s8], [sflag:$0x2] =	stream.indirect_vreg.gather [hbm4b:s1+s5], $0x80, v3, vm0, $0xb8;
	[tilespmem:$0x18200] =	vst v63  }
0x57: {  	s23 =	simm.s32 $0x6A00  }
0x58: {  	[tilespmem:s23], [sflag:$0x2] =	stream.indirect_vreg.gather [hbm4b:s9+s5], $0x80, v3, vm0, $0xb8;
	[tilespmem:$0x18200] =	vst v63  }
0x59: {  	s24 =	simm.s32 $0x7200  }
0x5a: {  	[tilespmem:s24], [sflag:$0x2] =	stream.indirect_vreg.gather [hbm4b:s10+s5], $0x80, v3, vm0, $0xb8;
	[tilespmem:$0x18200] =	vst v63  }
0x5b: {  	s25 =	simm.s32 $0x7A00  }
0x5c: {  	[tilespmem:s25], [sflag:$0x2] =	stream.indirect_vreg.gather [hbm4b:s11+s5], $0x80, v3, vm0, $0xb8;
	[tilespmem:$0x18200] =	vst v63  }
0x5d: {  	v3 =	vld [tilespmem:$0x110];
	_ =	sdelay $0x4  }
0x5e: {  	v63 =	vshll.u32 v3, $0x3  }
0x5f: {  	v3 =	vand.u32 $0x7, v3;
	v4 =	vand.u32 $0xFFFFFFC0, v63  }
0x60: {  	v3 =	vor.u32 v3, v4  }
0x61: {  	v4 =	vperm.xlane v3, v0;
	_ =	sdelay $0x1  }
0x62: {  	v4 =	vadd.s32 v1, v4;
	_ =	sdelay $0x3  }
0x63: {  	s26 =	simm.s32 $0xC200  }
0x64: {  	[tilespmem:s26], [sflag:$0x2] =	stream.indirect_vreg.gather [hbm4b:s2+s5], $0x80, v4, vm0, $0xb8;
	[tilespmem:$0x18200] =	vst v63  }
0x65: {  	s28 =	simm.s32 $0xCA00;
	v3 =	vperm.xlane v3, v2  }
0x66: {  	[tilespmem:s28], [sflag:$0x2] =	stream.indirect_vreg.gather [hbm4b:s12+s5], $0x80, v4, vm0, $0xb8;
	[tilespmem:$0x18200] =	vst v63  }
0x67: {  	s29 =	simm.s32 $0xD200;
	v3 =	vadd.s32 v1, v3  }
0x68: {  	[tilespmem:s29], [sflag:$0x2] =	stream.indirect_vreg.gather [hbm4b:s13+s5], $0x80, v4, vm0, $0xb8;
	[tilespmem:$0x18200] =	vst v63  }
0x69: {  	s8 =	simm.s32 $0xDA00  }
0x6a: {  	[tilespmem:s8], [sflag:$0x2] =	stream.indirect_vreg.gather [hbm4b:s14+s5], $0x80, v4, vm0, $0xb8;
	[tilespmem:$0x18200] =	vst v63  }
0x6b: {  	s23 =	simm.s32 $0xE200  }
0x6c: {  	[tilespmem:s23], [sflag:$0x2] =	stream.indirect_vreg.gather [hbm4b:s2+s5], $0x80, v3, vm0, $0xb8;
	[tilespmem:$0x18200] =	vst v63  }
0x6d: {  	s24 =	simm.s32 $0xEA00  }
0x6e: {  	[tilespmem:s24], [sflag:$0x2] =	stream.indirect_vreg.gather [hbm4b:s12+s5], $0x80, v3, vm0, $0xb8;
	[tilespmem:$0x18200] =	vst v63  }
0x6f: {  	s25 =	simm.s32 $0xF200  }
0x70: {  	[tilespmem:s25], [sflag:$0x2] =	stream.indirect_vreg.gather [hbm4b:s13+s5], $0x80, v3, vm0, $0xb8;
	[tilespmem:$0x18200] =	vst v63  }
0x71: {  	s26 =	simm.s32 $0xFA00  }
0x72: {  	[tilespmem:s26], [sflag:$0x2] =	stream.indirect_vreg.gather [hbm4b:s14+s5], $0x80, v3, vm0, $0xb8;
	[tilespmem:$0x18200] =	vst v63  }
0x73: {  	s28 =	simm.s32 $0x20  }
0x74: {  	[tilespmem:s28], [sflag:$0x5] =	stream.linear.gather [hbm4b:s15+s5], $0xE0, $0x38;
	[tilespmem:$0x18200] =	vst v63  }
0x75: {  	_ =	swait.ge [sflag:s19], $0xE0  }
0x76: {  	[sflag:s19] =	ssyncset.done $0x0  }
0x77: {  	s29 =	simm.s32 $0x120;
	[sflag:s19] =	ssyncadd.s32 $0xFFFFFF20  }
0x78: {  	[tilespmem:s29], [sflag:$0x5] =	stream.linear.gather [hbm4b:s16+s5], $0xE0, $0x38;
	[tilespmem:$0x18200] =	vst v63  }
0x79: {  	_ =	swait.ge [sflag:s19], $0xE0  }
0x7a: {  	[sflag:s19] =	ssyncset.done $0x0  }
0x7b: {  	s23 =	simm.s32 $0x0;
	[sflag:s19] =	ssyncadd.s32 $0xFFFFFF20  }
.LBB2_2:
0x7c: {  	_ =	swait.ge [sflag:s30], $0x4000  }
0x7d: {  	[sflag:s30] =	ssyncset.done $0x0  }
0x7e: {  	[sflag:s30] =	ssyncadd.s32 $0xFFFFC000  }
0x7f: {  	p1 =	seq.s32 s23, $0x0;
	_ =	swait.ge [sflag:s30], $0x4000  }
0x80: {  	s8 =	simm.s32 $0x0;
	s24 =	simm.s32 $0x0;
	[sflag:s30] =	ssyncset.done $0x0  }
0x81: {  	s25 =	simm.s32 $0x0;
	s7 =	simm.s32 @!p1 $0x3;
	[sflag:s30] =	ssyncadd.s32 $0xFFFFC000  }
0x82: {  	s8 =	sand.u32 $0x1C00, s8;
	s24 =	sand.u32 $0x2000, s24;
	_ =	swait.ge @!p1 [sflag:s7], $0x4000  }
0x83: {  	s26 =	sand.u32 $0x380, s25;
	s8 =	sor.u32 s8, s24;
	[sflag:s7] =	ssyncset.done @!p1 $0x0  }
0x84: {  	s25 =	sor.u32 s26, s8;
	[sflag:s7] =	ssyncadd.s32 @!p1 $0xFFFFC000  }
0x85: {  	v3 =	vld [tilespmem:s25+$0x270]  }
0x86: {  	v4 =	vld [tilespmem:s25+$0x8270]  }
0x87: {  	v5 =	vld [tilespmem:s25+$0x200]  }
0x88: {  	v6 =	vld [tilespmem:s25+$0x8200]  }
0x89: {  	v7 =	vld [tilespmem:s25+$0x210]  }
0x8a: {  	v8 =	vld [tilespmem:s25+$0x8210]  }
0x8b: {  	v9 =	vld [tilespmem:s25+$0x220]  }
0x8c: {  	v10 =	vld [tilespmem:s25+$0x8220]  }
0x8d: {  	v4 =	vadd.f32 v4, v3;
	v3 =	vld [tilespmem:s25+$0x230]  }
0x8e: {  	v6 =	vadd.f32 v6, v5;
	v5 =	vld [tilespmem:s25+$0x8230]  }
0x8f: {  	[tilespmem:s25+$0x10270] =	vst v4;
	v4 =	vld [tilespmem:s25+$0x240]  }
0x90: {  	s29 =	simm.s32 $0x10;
	v7 =	vadd.f32 v8, v7;
	[tilespmem:s25+$0x10200] =	vst v6;
	v6 =	vld [tilespmem:s25+$0x8240]  }
0x91: {  	s28 =	simm.s32 $0x2;
	s8 =	simm.s32 $0x80;
	s26 =	simm.s32 $0x400;
	v9 =	vadd.f32 v10, v9;
	v8 =	vld [tilespmem:s25+$0x8250]  }
0x92: {  	s24 =	sshll.u32 s23, $0x5;
	s8 =	sand.u32 $0x2000, s8;
	s7 =	sand.u32 $0x1C00, s26;
	[tilespmem:s25+$0x10210] =	vst v7;
	v7 =	vld [tilespmem:s25+$0x250]  }
.LBB2_3:
0x93: {  	p0 =	sne.s32 s28, $0x7F;
	s7 =	sor.u32 s7, s8;
	s8 =	sand.u32 $0x380, s29;
	[tilespmem:s25+$0x10220] =	vst v9;
	v3 =	vadd.f32 v5, v3;
	v5 =	vld [tilespmem:s25+$0x260]  }
0x94: {  	s7 =	sor.u32 s8, s7;
	v9 =	vld [tilespmem:s25+$0x8260]  }
0x95: {  	v10 =	vld [tilespmem:s7+$0x270];
	[tilespmem:s25+$0x10230] =	vst v3;
	v3 =	vadd.f32 v6, v4  }
0x96: {  	v4 =	vld [tilespmem:s7+$0x8270]  }
0x97: {  	v6 =	vld [tilespmem:s7+$0x200];
	[tilespmem:s25+$0x10240] =	vst v3;
	v3 =	vadd.f32 v8, v7  }
0x98: {  	v7 =	vld [tilespmem:s7+$0x8200]  }
0x99: {  	v8 =	vld [tilespmem:s7+$0x210];
	[tilespmem:s25+$0x10250] =	vst v3;
	v3 =	vadd.f32 v9, v5  }
0x9a: {  	v9 =	vld [tilespmem:s7+$0x8210]  }
0x9b: {  	v11 =	vld [tilespmem:s7+$0x220];
	v4 =	vadd.f32 v4, v10;
	[tilespmem:s25+$0x10260] =	vst v3;
	s25 =	smov.u32 s7  }
0x9c: {  	v10 =	vld [tilespmem:s25+$0x8220]  }
0x9d: {  	v6 =	vadd.f32 v7, v6;
	v3 =	vld [tilespmem:s25+$0x230];
	[tilespmem:s25+$0x10270] =	vst v4  }
.Ltmp0:
0x9e: {  	v5 =	vld [tilespmem:s25+$0x8230];
	(pc) =	sbr.rel @p0 .LBB2_3-.Ltmp0, $4  }
0x9f: {  	[tilespmem:s25+$0x10200] =	vst v6;
	v7 =	vadd.f32 v9, v8;
	v4 =	vld [tilespmem:s25+$0x240]  }
0xa0: {  	v6 =	vld [tilespmem:s25+$0x8240]  }
0xa1: {  	s29 =	sshll.u32 s28, $0x4;
	s26 =	sadd.s32 $0x400, s26;
	s8 =	sshll.u32 s28, $0x7;
	[tilespmem:s25+$0x10210] =	vst v7;
	v9 =	vadd.f32 v10, v11;
	v7 =	vld [tilespmem:s25+$0x250]  }
0xa2: {  	s28 =	sadd.s32 $0x1, s28;
	s8 =	sand.u32 $0x2000, s8;
	s7 =	sand.u32 $0x1C00, s26;
	v8 =	vld [tilespmem:s25+$0x8250]  }
0xa3: {  	[tilespmem:s25+$0x10220] =	vst v9;
	s7 =	sor.u32 s7, s8;
	s26 =	sand.u32 $0x380, s29;
	v9 =	vld [tilespmem:s25+$0x260]  }
0xa4: {  	v10 =	vld [tilespmem:s25+$0x8260];
	s7 =	sor.u32 s26, s7  }
0xa5: {  	v11 =	vld [tilespmem:s7+$0x270]  }
0xa6: {  	v12 =	vld [tilespmem:s7+$0x8270]  }
0xa7: {  	v13 =	vld [tilespmem:s7+$0x200]  }
0xa8: {  	v14 =	vld [tilespmem:s7+$0x8200]  }
0xa9: {  	v15 =	vld [tilespmem:s7+$0x210]  }
0xaa: {  	v16 =	vld [tilespmem:s7+$0x8210]  }
0xab: {  	v17 =	vld [tilespmem:s7+$0x220]  }
0xac: {  	v18 =	vld [tilespmem:s7+$0x8220]  }
0xad: {  	v19 =	vld [tilespmem:s7+$0x230]  }
0xae: {  	v3 =	vadd.f32 v5, v3;
	v5 =	vld [tilespmem:s7+$0x8230]  }
0xaf: {  	v4 =	vadd.f32 v6, v4;
	v6 =	vld [tilespmem:s7+$0x240]  }
0xb0: {  	[tilespmem:s25+$0x10230] =	vst v3;
	v3 =	vadd.f32 v8, v7;
	v7 =	vld [tilespmem:s7+$0x8240]  }
0xb1: {  	[tilespmem:s25+$0x10240] =	vst v4;
	v8 =	vld [tilespmem:s7+$0x250];
	v4 =	vadd.f32 v10, v9  }
0xb2: {  	v9 =	vld [tilespmem:s7+$0x8250];
	[tilespmem:s25+$0x10250] =	vst v3;
	v3 =	vadd.f32 v12, v11  }
0xb3: {  	v10 =	vld [tilespmem:s7+$0x260];
	[tilespmem:s25+$0x10260] =	vst v4;
	v4 =	vadd.f32 v14, v13  }
0xb4: {  	v11 =	vld [tilespmem:s7+$0x8260];
	[tilespmem:s7+$0x10270] =	vst v3;
	v3 =	vadd.f32 v16, v15  }
0xb5: {  	[tilespmem:s7+$0x10200] =	vst v4;
	v4 =	vadd.f32 v18, v17  }
0xb6: {  	[tilespmem:s7+$0x10210] =	vst v3;
	v3 =	vadd.f32 v5, v19  }
0xb7: {  	[tilespmem:s7+$0x10220] =	vst v4;
	v4 =	vadd.f32 v7, v6  }
0xb8: {  	[tilespmem:s7+$0x10230] =	vst v3;
	v3 =	vadd.f32 v9, v8  }
0xb9: {  	[tilespmem:s7+$0x10240] =	vst v4;
	v4 =	vadd.f32 v11, v10  }
0xba: {  	[tilespmem:s7+$0x10250] =	vst v3  }
0xbb: {  	p0 =	seq.s32 s23, $0x7;
	[tilespmem:s7+$0x10260] =	vst v4  }
0xbc: {  	v3 =	vld @!p0 [tilespmem:s24+$0x20];
	_ =	sdelay $0x4  }
0xbd: {  	v4 =	vshll.u32 @!p0 v3, $0x3  }
0xbe: {  	v5 =	vlaneseq.u32 @!p0;
	v3 =	vand.u32 @!p0 $0x7, v3;
	v4 =	vand.u32 @!p0 $0xFFFFFFC0, v4  }
0xbf: {  	v6 =	vshrl.u32 @!p0 v5, $0x3;
	v3 =	vor.u32 @!p0 v3, v4;
	v4 =	vand.u32 @!p0 $0x7, v5  }
0xc0: {  	v6 =	vmul.u32 @!p0 $0x8, v6;
	v7 =	vperm.xlane @!p0 v3, v4;
	_ =	sdelay $0x1  }
0xc1: {  	v7 =	vadd.s32 @!p0 v6, v7;
	_ =	sdelay $0x3  }
0xc2: {  	vm1 =	vmmov @!p0 $0xffff;
	s8 =	simm.s32 @!p0 $0x200;
	s7 =	simm.s32 @!p0 $0x0  }
0xc3: {  	v5 =	vor.u32 @!p0 $0x8, v5;
	[tilespmem:s8], [sflag:$0x1] =	stream.indirect_vreg.gather @!p0 [hbm4b:s1+s7], $0x80, v7, vm1, $0xb8;
	[tilespmem:$0x18200] =	vst v63  }
0xc4: {  	v3 =	vperm.xlane @!p0 v3, v5;
	s8 =	simm.s32 @!p0 $0xA00  }
0xc5: {  	[tilespmem:s8], [sflag:$0x1] =	stream.indirect_vreg.gather @!p0 [hbm4b:s9+s7], $0x80, v7, vm1, $0xb8;
	[tilespmem:$0x18200] =	vst v63  }
0xc6: {  	v3 =	vadd.s32 @!p0 v6, v3;
	s8 =	simm.s32 @!p0 $0x1200  }
0xc7: {  	[tilespmem:s8], [sflag:$0x1] =	stream.indirect_vreg.gather @!p0 [hbm4b:s10+s7], $0x80, v7, vm1, $0xb8;
	[tilespmem:$0x18200] =	vst v63  }
0xc8: {  	s8 =	simm.s32 @!p0 $0x1A00  }
0xc9: {  	[tilespmem:s8], [sflag:$0x1] =	stream.indirect_vreg.gather @!p0 [hbm4b:s11+s7], $0x80, v7, vm1, $0xb8;
	[tilespmem:$0x18200] =	vst v63  }
0xca: {  	s8 =	simm.s32 @!p0 $0x2200  }
0xcb: {  	[tilespmem:s8], [sflag:$0x1] =	stream.indirect_vreg.gather @!p0 [hbm4b:s1+s7], $0x80, v3, vm1, $0xb8;
	[tilespmem:$0x18200] =	vst v63  }
0xcc: {  	s8 =	simm.s32 @!p0 $0x2A00  }
0xcd: {  	[tilespmem:s8], [sflag:$0x1] =	stream.indirect_vreg.gather @!p0 [hbm4b:s9+s7], $0x80, v3, vm1, $0xb8;
	[tilespmem:$0x18200] =	vst v63  }
0xce: {  	s8 =	simm.s32 @!p0 $0x3200  }
0xcf: {  	[tilespmem:s8], [sflag:$0x1] =	stream.indirect_vreg.gather @!p0 [hbm4b:s10+s7], $0x80, v3, vm1, $0xb8;
	[tilespmem:$0x18200] =	vst v63  }
0xd0: {  	s8 =	simm.s32 @!p0 $0x3A00  }
0xd1: {  	[tilespmem:s8], [sflag:$0x1] =	stream.indirect_vreg.gather @!p0 [hbm4b:s11+s7], $0x80, v3, vm1, $0xb8;
	[tilespmem:$0x18200] =	vst v63  }
0xd2: {  	v3 =	vld @!p0 [tilespmem:s24+$0x120];
	_ =	sdelay $0x4  }
0xd3: {  	v7 =	vshll.u32 @!p0 v3, $0x3  }
0xd4: {  	v3 =	vand.u32 @!p0 $0x7, v3;
	v7 =	vand.u32 @!p0 $0xFFFFFFC0, v7  }
0xd5: {  	v3 =	vor.u32 @!p0 v3, v7  }
0xd6: {  	v4 =	vperm.xlane @!p0 v3, v4;
	_ =	sdelay $0x1  }
0xd7: {  	v4 =	vadd.s32 @!p0 v6, v4;
	_ =	sdelay $0x3  }
0xd8: {  	s8 =	simm.s32 @!p0 $0x8200  }
0xd9: {  	[tilespmem:s8], [sflag:$0x1] =	stream.indirect_vreg.gather @!p0 [hbm4b:s2+s7], $0x80, v4, vm1, $0xb8;
	[tilespmem:$0x18200] =	vst v63  }
0xda: {  	v3 =	vperm.xlane @!p0 v3, v5;
	s8 =	simm.s32 @!p0 $0x8A00  }
0xdb: {  	[tilespmem:s8], [sflag:$0x1] =	stream.indirect_vreg.gather @!p0 [hbm4b:s12+s7], $0x80, v4, vm1, $0xb8;
	[tilespmem:$0x18200] =	vst v63  }
0xdc: {  	v3 =	vadd.s32 @!p0 v6, v3;
	s8 =	simm.s32 @!p0 $0x9200  }
0xdd: {  	[tilespmem:s8], [sflag:$0x1] =	stream.indirect_vreg.gather @!p0 [hbm4b:s13+s7], $0x80, v4, vm1, $0xb8;
	[tilespmem:$0x18200] =	vst v63  }
0xde: {  	s8 =	simm.s32 @!p0 $0x9A00  }
0xdf: {  	[tilespmem:s8], [sflag:$0x1] =	stream.indirect_vreg.gather @!p0 [hbm4b:s14+s7], $0x80, v4, vm1, $0xb8;
	[tilespmem:$0x18200] =	vst v63  }
0xe0: {  	s8 =	simm.s32 @!p0 $0xA200  }
0xe1: {  	[tilespmem:s8], [sflag:$0x1] =	stream.indirect_vreg.gather @!p0 [hbm4b:s2+s7], $0x80, v3, vm1, $0xb8;
	[tilespmem:$0x18200] =	vst v63  }
0xe2: {  	s8 =	simm.s32 @!p0 $0xAA00  }
0xe3: {  	[tilespmem:s8], [sflag:$0x1] =	stream.indirect_vreg.gather @!p0 [hbm4b:s12+s7], $0x80, v3, vm1, $0xb8;
	[tilespmem:$0x18200] =	vst v63  }
0xe4: {  	s8 =	simm.s32 @!p0 $0xB200  }
0xe5: {  	[tilespmem:s8], [sflag:$0x1] =	stream.indirect_vreg.gather @!p0 [hbm4b:s13+s7], $0x80, v3, vm1, $0xb8;
	[tilespmem:$0x18200] =	vst v63  }
0xe6: {  	s25 =	sshll.u32 s23, $0xC;
	s8 =	simm.s32 @!p0 $0xBA00  }
0xe7: {  	[tilespmem:s8], [sflag:$0x1] =	stream.indirect_vreg.gather @!p0 [hbm4b:s14+s7], $0x80, v3, vm1, $0xb8;
	[tilespmem:$0x18200] =	vst v63  }
0xe8: {  	s7 =	sadd.s32 s25, s17  }
0xe9: {  	[hbm4b:s7+s5] =	stream.linear.scatter [tilespmem:s31], [sflag:$0x3], $0x4000, $0x38;
	[tilespmem:$0x18200] =	vst v63  }
0xea: {  	_ =	swait.ge [sflag:s0], $0x4000  }
0xeb: {  	[sflag:s0] =	ssyncset.done $0x0  }
0xec: {  	[sflag:s0] =	ssyncadd.s32 $0xFFFFC000  }
0xed: {  	_ =	swait.ge [sflag:s0], $0x4000  }
0xee: {  	s26 =	simm.s32 $0x0;
	s8 =	simm.s32 $0x0;
	[sflag:s0] =	ssyncset.done $0x0  }
0xef: {  	s25 =	simm.s32 $0x0;
	s7 =	simm.s32 @!p1 $0x4;
	[sflag:s0] =	ssyncadd.s32 $0xFFFFC000  }
0xf0: {  	s8 =	sand.u32 $0x1C00, s8;
	s25 =	sand.u32 $0x2000, s25;
	_ =	swait.ge @!p1 [sflag:s7], $0x4000  }
0xf1: {  	s26 =	sand.u32 $0x380, s26;
	s8 =	sor.u32 s8, s25;
	[sflag:s7] =	ssyncset.done @!p1 $0x0  }
0xf2: {  	s25 =	sor.u32 s26, s8;
	[sflag:s7] =	ssyncadd.s32 @!p1 $0xFFFFC000  }
0xf3: {  	v3 =	vld [tilespmem:s25+$0x4270]  }
0xf4: {  	v4 =	vld [tilespmem:s25+$0xC270]  }
0xf5: {  	v5 =	vld [tilespmem:s25+$0x4200]  }
0xf6: {  	v6 =	vld [tilespmem:s25+$0xC200]  }
0xf7: {  	v7 =	vld [tilespmem:s25+$0x4210]  }
0xf8: {  	v8 =	vld [tilespmem:s25+$0xC210]  }
0xf9: {  	v9 =	vld [tilespmem:s25+$0x4220]  }
0xfa: {  	v10 =	vld [tilespmem:s25+$0xC220]  }
0xfb: {  	v4 =	vadd.f32 v4, v3;
	v3 =	vld [tilespmem:s25+$0x4230]  }
0xfc: {  	v6 =	vadd.f32 v6, v5;
	v5 =	vld [tilespmem:s25+$0xC230]  }
0xfd: {  	[tilespmem:s25+$0x14270] =	vst v4;
	v4 =	vld [tilespmem:s25+$0x4240]  }
0xfe: {  	v7 =	vadd.f32 v8, v7;
	[tilespmem:s25+$0x14200] =	vst v6;
	v6 =	vld [tilespmem:s25+$0xC240]  }
0xff: {  	s29 =	simm.s32 $0x10;
	s8 =	simm.s32 $0x80;
	s26 =	simm.s32 $0x400;
	v9 =	vadd.f32 v10, v9;
	v8 =	vld [tilespmem:s25+$0xC250]  }
0x100: {  	s28 =	simm.s32 $0x2;
	s8 =	sand.u32 $0x2000, s8;
	s7 =	sand.u32 $0x1C00, s26;
	[tilespmem:s25+$0x14210] =	vst v7;
	v7 =	vld [tilespmem:s25+$0x4250]  }
.LBB2_5:
0x101: {  	p1 =	sne.s32 s28, $0x7F;
	s7 =	sor.u32 s7, s8;
	s8 =	sand.u32 $0x380, s29;
	[tilespmem:s25+$0x14220] =	vst v9;
	v3 =	vadd.f32 v5, v3;
	v5 =	vld [tilespmem:s25+$0x4260]  }
0x102: {  	s7 =	sor.u32 s8, s7;
	v9 =	vld [tilespmem:s25+$0xC260]  }
0x103: {  	v10 =	vld [tilespmem:s7+$0x4270];
	[tilespmem:s25+$0x14230] =	vst v3;
	v3 =	vadd.f32 v6, v4  }
0x104: {  	v4 =	vld [tilespmem:s7+$0xC270]  }
0x105: {  	v6 =	vld [tilespmem:s7+$0x4200];
	[tilespmem:s25+$0x14240] =	vst v3;
	v3 =	vadd.f32 v8, v7  }
0x106: {  	v7 =	vld [tilespmem:s7+$0xC200]  }
0x107: {  	v8 =	vld [tilespmem:s7+$0x4210];
	[tilespmem:s25+$0x14250] =	vst v3;
	v3 =	vadd.f32 v9, v5  }
0x108: {  	v9 =	vld [tilespmem:s7+$0xC210]  }
0x109: {  	v11 =	vld [tilespmem:s7+$0x4220];
	v4 =	vadd.f32 v4, v10;
	[tilespmem:s25+$0x14260] =	vst v3;
	s25 =	smov.u32 s7  }
0x10a: {  	v10 =	vld [tilespmem:s25+$0xC220]  }
0x10b: {  	v6 =	vadd.f32 v7, v6;
	v3 =	vld [tilespmem:s25+$0x4230];
	[tilespmem:s25+$0x14270] =	vst v4  }
.Ltmp1:
0x10c: {  	v5 =	vld [tilespmem:s25+$0xC230];
	(pc) =	sbr.rel @p1 .LBB2_5-.Ltmp1, $4  }
0x10d: {  	[tilespmem:s25+$0x14200] =	vst v6;
	v7 =	vadd.f32 v9, v8;
	v4 =	vld [tilespmem:s25+$0x4240]  }
0x10e: {  	v6 =	vld [tilespmem:s25+$0xC240]  }
0x10f: {  	s29 =	sshll.u32 s28, $0x4;
	s26 =	sadd.s32 $0x400, s26;
	s8 =	sshll.u32 s28, $0x7;
	[tilespmem:s25+$0x14210] =	vst v7;
	v9 =	vadd.f32 v10, v11;
	v7 =	vld [tilespmem:s25+$0x4250]  }
0x110: {  	s28 =	sadd.s32 $0x1, s28;
	s8 =	sand.u32 $0x2000, s8;
	s7 =	sand.u32 $0x1C00, s26;
	v8 =	vld [tilespmem:s25+$0xC250]  }
0x111: {  	s7 =	sor.u32 s7, s8;
	s28 =	sand.u32 $0x380, s29;
	v51 =	vld [tilespmem:s25+$0x4260]  }
0x112: {  	v10 =	vld [tilespmem:s25+$0xC260];
	s7 =	sor.u32 s28, s7  }
0x113: {  	v11 =	vld [tilespmem:s7+$0x4270]  }
0x114: {  	v12 =	vld [tilespmem:s7+$0xC270]  }
0x115: {  	v13 =	vld [tilespmem:s7+$0x4200]  }
0x116: {  	v14 =	vld [tilespmem:s7+$0xC200]  }
0x117: {  	v15 =	vld [tilespmem:s7+$0x4210]  }
0x118: {  	v16 =	vld [tilespmem:s7+$0xC210]  }
0x119: {  	v17 =	vld [tilespmem:s7+$0x4220]  }
0x11a: {  	v18 =	vld [tilespmem:s7+$0xC220]  }
0x11b: {  	v19 =	vld [tilespmem:s7+$0x4230]  }
0x11c: {  	v3 =	vadd.f32 v5, v3;
	v52 =	vld [tilespmem:s7+$0xC230]  }
0x11d: {  	[tilespmem:s25+$0x14220] =	vst v9;
	v4 =	vadd.f32 v6, v4;
	v53 =	vld [tilespmem:s7+$0x4240]  }
0x11e: {  	[tilespmem:s25+$0x14230] =	vst v3;
	v54 =	vld [tilespmem:s7+$0xC240];
	v3 =	vadd.f32 v8, v7  }
0x11f: {  	v56 =	vld [tilespmem:s7+$0x4250];
	[tilespmem:s25+$0x14240] =	vst v4;
	v55 =	vadd.f32 v10, v51  }
0x120: {  	v59 =	vld [tilespmem:s7+$0x4260];
	[tilespmem:s25+$0x14250] =	vst v3;
	v3 =	vadd.f32 v12, v11  }
0x121: {  	v60 =	vld [tilespmem:s7+$0xC260];
	[tilespmem:s25+$0x14260] =	vst v55;
	v58 =	vadd.f32 v14, v13  }
0x122: {  	v57 =	vld [tilespmem:s7+$0xC250];
	v61 =	vadd.f32 v18, v17;
	[tilespmem:s7+$0x14270] =	vst v3  }
0x123: {  	v3 =	vadd.f32 v16, v15;
	[tilespmem:s7+$0x14200] =	vst v58  }
0x124: {  	v62 =	vadd.f32 v54, v53;
	[tilespmem:s7+$0x14220] =	vst v61  }
0x125: {  	[tilespmem:s7+$0x14210] =	vst v3;
	v3 =	vadd.f32 v52, v19  }
0x126: {  	v63 =	vadd.f32 v60, v59;
	[tilespmem:s7+$0x14240] =	vst v62  }
0x127: {  	[tilespmem:s7+$0x14230] =	vst v3;
	v3 =	vadd.f32 v57, v56  }
0x128: {  	[tilespmem:s7+$0x14260] =	vst v63  }
0x129: {  	[tilespmem:s7+$0x14250] =	vst v3  }
0x12a: {  	v3 =	vld @!p0 [tilespmem:s24+$0x30];
	_ =	sdelay $0x4  }
0x12b: {  	v4 =	vshll.u32 @!p0 v3, $0x3  }
0x12c: {  	v5 =	vlaneseq.u32 @!p0;
	v3 =	vand.u32 @!p0 $0x7, v3;
	v4 =	vand.u32 @!p0 $0xFFFFFFC0, v4  }
0x12d: {  	v6 =	vshrl.u32 @!p0 v5, $0x3;
	v3 =	vor.u32 @!p0 v3, v4;
	v4 =	vand.u32 @!p0 $0x7, v5  }
0x12e: {  	v6 =	vmul.u32 @!p0 $0x8, v6;
	v7 =	vperm.xlane @!p0 v3, v4;
	_ =	sdelay $0x1  }
0x12f: {  	v7 =	vadd.s32 @!p0 v6, v7;
	_ =	sdelay $0x3  }
0x130: {  	s8 =	simm.s32 @!p0 $0x4200;
	s7 =	simm.s32 @!p0 $0x0  }
0x131: {  	v5 =	vor.u32 @!p0 $0x8, v5;
	[tilespmem:s8], [sflag:$0x2] =	stream.indirect_vreg.gather @!p0 [hbm4b:s1+s7], $0x80, v7, vm1, $0xb8;
	[tilespmem:$0x18200] =	vst v63  }
0x132: {  	v3 =	vperm.xlane @!p0 v3, v5;
	s8 =	simm.s32 @!p0 $0x4A00  }
0x133: {  	[tilespmem:s8], [sflag:$0x2] =	stream.indirect_vreg.gather @!p0 [hbm4b:s9+s7], $0x80, v7, vm1, $0xb8;
	[tilespmem:$0x18200] =	vst v63  }
0x134: {  	v3 =	vadd.s32 @!p0 v6, v3;
	s8 =	simm.s32 @!p0 $0x5200  }
0x135: {  	[tilespmem:s8], [sflag:$0x2] =	stream.indirect_vreg.gather @!p0 [hbm4b:s10+s7], $0x80, v7, vm1, $0xb8;
	[tilespmem:$0x18200] =	vst v63  }
0x136: {  	s8 =	simm.s32 @!p0 $0x5A00  }
0x137: {  	[tilespmem:s8], [sflag:$0x2] =	stream.indirect_vreg.gather @!p0 [hbm4b:s11+s7], $0x80, v7, vm1, $0xb8;
	[tilespmem:$0x18200] =	vst v63  }
0x138: {  	s8 =	simm.s32 @!p0 $0x6200  }
0x139: {  	[tilespmem:s8], [sflag:$0x2] =	stream.indirect_vreg.gather @!p0 [hbm4b:s1+s7], $0x80, v3, vm1, $0xb8;
	[tilespmem:$0x18200] =	vst v63  }
0x13a: {  	s8 =	simm.s32 @!p0 $0x6A00  }
0x13b: {  	[tilespmem:s8], [sflag:$0x2] =	stream.indirect_vreg.gather @!p0 [hbm4b:s9+s7], $0x80, v3, vm1, $0xb8;
	[tilespmem:$0x18200] =	vst v63  }
0x13c: {  	s8 =	simm.s32 @!p0 $0x7200  }
0x13d: {  	[tilespmem:s8], [sflag:$0x2] =	stream.indirect_vreg.gather @!p0 [hbm4b:s10+s7], $0x80, v3, vm1, $0xb8;
	[tilespmem:$0x18200] =	vst v63  }
0x13e: {  	s8 =	simm.s32 @!p0 $0x7A00  }
0x13f: {  	[tilespmem:s8], [sflag:$0x2] =	stream.indirect_vreg.gather @!p0 [hbm4b:s11+s7], $0x80, v3, vm1, $0xb8;
	[tilespmem:$0x18200] =	vst v63  }
0x140: {  	v3 =	vld @!p0 [tilespmem:s24+$0x130];
	_ =	sdelay $0x4  }
0x141: {  	v7 =	vshll.u32 @!p0 v3, $0x3  }
0x142: {  	v3 =	vand.u32 @!p0 $0x7, v3;
	v7 =	vand.u32 @!p0 $0xFFFFFFC0, v7  }
0x143: {  	v3 =	vor.u32 @!p0 v3, v7  }
0x144: {  	v4 =	vperm.xlane @!p0 v3, v4;
	_ =	sdelay $0x1  }
0x145: {  	v4 =	vadd.s32 @!p0 v6, v4;
	_ =	sdelay $0x3  }
0x146: {  	s8 =	simm.s32 @!p0 $0xC200  }
0x147: {  	[tilespmem:s8], [sflag:$0x2] =	stream.indirect_vreg.gather @!p0 [hbm4b:s2+s7], $0x80, v4, vm1, $0xb8;
	[tilespmem:$0x18200] =	vst v63  }
0x148: {  	v3 =	vperm.xlane @!p0 v3, v5;
	s8 =	simm.s32 @!p0 $0xCA00  }
0x149: {  	[tilespmem:s8], [sflag:$0x2] =	stream.indirect_vreg.gather @!p0 [hbm4b:s12+s7], $0x80, v4, vm1, $0xb8;
	[tilespmem:$0x18200] =	vst v63  }
0x14a: {  	v3 =	vadd.s32 @!p0 v6, v3;
	s8 =	simm.s32 @!p0 $0xD200  }
0x14b: {  	[tilespmem:s8], [sflag:$0x2] =	stream.indirect_vreg.gather @!p0 [hbm4b:s13+s7], $0x80, v4, vm1, $0xb8;
	[tilespmem:$0x18200] =	vst v63  }
0x14c: {  	s8 =	simm.s32 @!p0 $0xDA00  }
0x14d: {  	[tilespmem:s8], [sflag:$0x2] =	stream.indirect_vreg.gather @!p0 [hbm4b:s14+s7], $0x80, v4, vm1, $0xb8;
	[tilespmem:$0x18200] =	vst v63  }
0x14e: {  	s8 =	simm.s32 @!p0 $0xE200  }
0x14f: {  	[tilespmem:s8], [sflag:$0x2] =	stream.indirect_vreg.gather @!p0 [hbm4b:s2+s7], $0x80, v3, vm1, $0xb8;
	[tilespmem:$0x18200] =	vst v63  }
0x150: {  	s8 =	simm.s32 @!p0 $0xEA00  }
0x151: {  	[tilespmem:s8], [sflag:$0x2] =	stream.indirect_vreg.gather @!p0 [hbm4b:s12+s7], $0x80, v3, vm1, $0xb8;
	[tilespmem:$0x18200] =	vst v63  }
0x152: {  	s8 =	simm.s32 @!p0 $0xF200  }
0x153: {  	[tilespmem:s8], [sflag:$0x2] =	stream.indirect_vreg.gather @!p0 [hbm4b:s13+s7], $0x80, v3, vm1, $0xb8;
	[tilespmem:$0x18200] =	vst v63  }
0x154: {  	s23 =	sadd.s32 $0x1, s23;
	s8 =	simm.s32 @!p0 $0xFA00  }
0x155: {  	[tilespmem:s8], [sflag:$0x2] =	stream.indirect_vreg.gather @!p0 [hbm4b:s14+s7], $0x80, v3, vm1, $0xb8;
	[tilespmem:$0x18200] =	vst v63  }
0x156: {  	p0 =	sne.s32 s23, $0x8  }
.Ltmp2:
0x157: {  	s29 =	sadd.s32 s24, s6;
	(pc) =	sbr.rel @p0 .LBB2_2-.Ltmp2, $4  }
0x158: {  	s7 =	sshll.u32 s29, $0x7  }
0x159: {  	s7 =	sadd.s32 s4, s7  }
0x15a: {  	s7 =	sadd.s32 $0x800, s7  }
0x15b: {  	[hbm4b:s7+s5] =	stream.linear.scatter [tilespmem:s3], [sflag:$0x4], $0x4000, $0x38;
	[tilespmem:$0x18200] =	vst v63  }
0x15c: {  	s22 =	sadd.s32 $0x1, s22  }
0x15d: {  	_ =	swait.ge [sflag:s20], $0x4000;
	p0 =	sne.s32 s22, s18  }
.Ltmp3:
0x15e: {  	[sflag:s20] =	ssyncset.done $0x0;
	(pc) =	sbr.rel @p0 .LBB2_1-.Ltmp3, $4  }
0x15f: {  	[sflag:s20] =	ssyncadd.s32 $0xFFFFC000  }
0x160: {  	_ =	swait.ge [sflag:s21], $0x4000  }
0x161: {  	[sflag:s21] =	ssyncset.done $0x0  }
0x162: {  	[sflag:s21] =	ssyncadd.s32 $0xFFFFC000  }
0x163: {  	_ =	sfence.sel $0x180000  }
0x164: {  	[bflag:$0x0] =	sbarrier.arrive $0xFFFF  }
0x165: {  	_ =	strace $0x90000047  }
0x166: {  	s0 =	stileid.u32;
	[bflag:$0x2] =	sbarrier.arrive $0xFFFF  }
0x167: {  	p0 =	sne.s32 s0, $0x0;
	s0 =	rddreg [dreg:$0x5]  }
0x168: {  	s0 =	sadd.s32 @!p0 $0x100000, s0  }
0x169: {  	[sflag:s0] =	ssyncadd.tile.s32 @!p0 $0x1;
	_ =	shalt  }
.Lfunc_end2:
_tile_overlayer_lowered:
.L_overlay_start_2:
0x16a: {  	(tag) =	ssettag $0x2  }
0x16b: {  	s0 =	rddreg [dreg:$0x0];
	s2 =	stileid.u32  }
0x16c: {  	s1 =	rddreg [dreg:$0x1];
	p0 =	sne.s32 s2, $0x0  }
0x16d: {  	s3 =	rddreg [dreg:$0x2];
	[bflag:$0x3] =	sbarrier.arrive $0xFFFF;
	s2 =	simm.s32 @!p0 $0x1C05  }
0x16e: {  	[timem:s3], [sflag:s2] =	dma.local @!p0 [hbm:s0], s1  }
0x16f: {  	s0 =	simm.s32 @!p0 $0x5  }
0x170: {  	_ =	swait.ge @!p0 [sflag:s0], s1  }
0x171: {  	s1 =	ssub.s32 @!p0 $0x0, s1;
	[sflag:s0] =	ssyncset.done @!p0 $0x0  }
0x172: {  	[sflag:s0] =	ssyncadd.s32 @!p0 s1  }
0x173: {  	[bflag:$0x3] =	sbarrier.arrive $0xFFFF  }
0x174: {  	_ =	shalt  }

</sc_bundles>
